<compile_context>
chip_gen: v7x
topology: tpu7x:2x2x1
jax: 0.10.2.dev20260603
libtpu: 0.0.44.dev20260713+nightly
codegen_flags: <defaults>
</compile_context>

<pallas_src>
import functools

import jax
import jax.numpy as jnp
from jax import lax
from jax.experimental import pallas as pl
from jax.experimental.pallas import tpu as pltpu
from jax.experimental.pallas import tpu_sc as plsc

_N, _D, _B, _K = 8192, 256, 64, 8
_RB = 256
_NRB = _N // _RB
_TOT = _K * _N
_BIG = 1e37
_DONE = 3e38
_IMAX = 2147483647


def _stage1_body(x_ref, w1_ref, b1_ref, g1_ref, be1_ref,
                 e_ref, sq_ref, pp_ref, cp_ref):
    x = x_ref[...]
    nrm = jnp.sqrt(jnp.sum(x * x, axis=1, keepdims=True))
    e = x / (nrm + 1e-12)
    e_ref[...] = e
    sq_ref[...] = jnp.sum(e * e, axis=1, keepdims=True)
    wa = w1_ref[:_D, :]
    wb = w1_ref[_D:, :]
    g1 = g1_ref[...]
    pp_ref[...] = (jnp.dot(e, wa - wb, preferred_element_type=jnp.float32)
                   + b1_ref[...]) * g1 + be1_ref[...]
    cpv = jnp.dot(e, wb, preferred_element_type=jnp.float32) * g1
    cp_ref[0] = cpv[:, :128]
    cp_ref[1] = cpv[:, 128:]


def _stage1(x, W1, b1, g1, be1):
    f = jax.ShapeDtypeStruct
    return pl.pallas_call(
        _stage1_body,
        grid=(_NRB,),
        in_specs=[
            pl.BlockSpec((_RB, _D), lambda i: (i, 0)),
            pl.BlockSpec((2 * _D, _D), lambda i: (0, 0)),
            pl.BlockSpec((1, _D), lambda i: (0, 0)),
            pl.BlockSpec((1, _D), lambda i: (0, 0)),
            pl.BlockSpec((1, _D), lambda i: (0, 0)),
        ],
        out_specs=[
            pl.BlockSpec((_RB, _D), lambda i: (i, 0)),
            pl.BlockSpec((_RB, 1), lambda i: (i, 0)),
            pl.BlockSpec((_RB, _D), lambda i: (i, 0)),
            pl.BlockSpec((2, _RB, 128), lambda i: (0, i, 0)),
        ],
        out_shape=[f((_N, _D), jnp.float32), f((_N, 1), jnp.float32),
                   f((_N, _D), jnp.float32), f((2, _N, 128), jnp.float32)],
    )(x, W1, b1.reshape(1, _D), g1.reshape(1, _D), be1.reshape(1, _D))


def _knn_body(jlo_ref, jhi_ref, e_ref, sq_ref, bcol_ref,
              sqt_ref, brow_ref, idx_ref):
    def row_step(ib, rcarry):
        er = e_ref[pl.ds(ib * _RB, _RB), :]
        sqr = sqt_ref[0:1, pl.ds(ib * _RB, _RB)]
        brr = brow_ref[0:1, pl.ds(ib * _RB, _RB)]

        def col_step(j, carry):
            bd, bi = carry
            ec = e_ref[pl.ds(j * _RB, _RB), :]
            dot = lax.dot_general(ec, er, (((1,), (1,)), ((), ())),
                                  preferred_element_type=jnp.float32)
            d = sq_ref[pl.ds(j * _RB, _RB), :] + sqr - 2.0 * dot
            d = jnp.where(bcol_ref[pl.ds(j * _RB, _RB), :] != brr,
                          _BIG, d)
            gcol = lax.broadcasted_iota(jnp.int32, (_RB, _RB), 0) + j * _RB
            cd = jnp.concatenate([bd, d], axis=0)
            ci = jnp.concatenate([bi, gcol], axis=0)
            nd, ni = [], []
            for t in range(_K):
                m = jnp.min(cd, axis=0, keepdims=True)
                im = jnp.min(jnp.where(cd == m, ci, _IMAX),
                             axis=0, keepdims=True)
                nd.append(m)
                ni.append(im)
                if t < _K - 1:
                    cd = jnp.where(ci == im, _DONE, cd)
            return (jnp.concatenate(nd, axis=0),
                    jnp.concatenate(ni, axis=0))

        init = (jnp.full((_K, _RB), _BIG, jnp.float32),
                lax.broadcasted_iota(jnp.int32, (_K, _RB), 0))
        _, bi = lax.fori_loop(jlo_ref[0, ib], jhi_ref[0, ib] + 1,
                              col_step, init)
        idx_ref[:, pl.ds(ib * _RB, _RB)] = bi
        return rcarry

    lax.fori_loop(0, _NRB, row_step, 0)


def _stage2(jlo, jhi, e, sq, bcol, sqt, brow):
    return pl.pallas_call(
        _knn_body,
        in_specs=[
            pl.BlockSpec(memory_space=pltpu.SMEM),
            pl.BlockSpec(memory_space=pltpu.SMEM),
            pl.BlockSpec((_N, _D), lambda: (0, 0)),
            pl.BlockSpec((_N, 1), lambda: (0, 0)),
            pl.BlockSpec((_N, 1), lambda: (0, 0)),
            pl.BlockSpec((1, _N), lambda: (0, 0)),
            pl.BlockSpec((1, _N), lambda: (0, 0)),
        ],
        out_specs=pl.BlockSpec((_K, _N), lambda: (0, 0)),
        out_shape=jax.ShapeDtypeStruct((_K, _N), jnp.int32),
    )(jlo, jhi, e, sq, bcol, sqt, brow)


@functools.cache
def _make_gather():
    info = plsc.get_sparse_core_info()
    nw = info.num_cores * info.num_subcores
    tot = 2 * _TOT
    bpw = tot // nw
    ch = 256
    nchunk = bpw // ch
    nbuf = 3
    mesh = plsc.VectorSubcoreMesh(core_axis_name="c", subcore_axis_name="s")

    @functools.partial(
        pl.kernel, mesh=mesh,
        out_type=jax.ShapeDtypeStruct((tot, 128), jnp.float32),
        scratch_types=[
            pltpu.VMEM((bpw,), jnp.int32),
            *[pltpu.VMEM((ch, 128), jnp.float32) for _ in range(nbuf)],
            pltpu.SemaphoreType.DMA,
            pltpu.SemaphoreType.DMA,
        ],
    )
    def gather_k(table_hbm, idx_hbm, out_hbm, idx_v, b0, b1, b2, gsem, ssem):
        bufs = (b0, b1, b2)
        wid = lax.axis_index("s") * info.num_cores + lax.axis_index("c")
        base = wid * bpw
        pltpu.sync_copy(idx_hbm.at[pl.ds(base, bpw)], idx_v)
        gathers = [None] * nchunk
        tail_stores = []
        for t in range(min(nbuf, nchunk)):
            gathers[t] = pltpu.async_copy(
                table_hbm.at[idx_v.at[pl.ds(t * ch, ch)]], bufs[t % nbuf], gsem)
        for t in range(nchunk):
            gathers[t].wait()
            st = pltpu.async_copy(
                bufs[t % nbuf], out_hbm.at[pl.ds(base + t * ch, ch)], ssem)
            nxt = t + nbuf
            if nxt < nchunk:
                st.wait()
                gathers[nxt] = pltpu.async_copy(
                    table_hbm.at[idx_v.at[pl.ds(nxt * ch, ch)]],
                    bufs[nxt % nbuf], gsem)
            else:
                tail_stores.append(st)
        for st in tail_stores:
            st.wait()

    return gather_k


def _mlp_body(segf_ref, segl_ref, pp_ref, g_ref, bcol_ref,
              w2_ref, b2_ref, g2_ref, be2_ref, pooled_ref):
    i = pl.program_id(0)

    @pl.when(i == 0)
    def _():
        pooled_ref[...] = jnp.full((_B, _D), -_DONE, jnp.float32)

    pp = pp_ref[...]
    w2 = w2_ref[...]
    b2 = b2_ref[...]
    g2v = g2_ref[...]
    be2 = be2_ref[...]
    acc = jnp.zeros((_RB, _D), jnp.float32)
    for k in range(_K):
        gk = jnp.concatenate([g_ref[0, k], g_ref[1, k]], axis=1)
        h1 = jnp.maximum(pp + gk, 0.0)
        h2 = (jnp.dot(h1, w2, preferred_element_type=jnp.float32)
              + b2) * g2v + be2
        acc = jnp.maximum(acc, jnp.maximum(h2, 0.0))
    bv = bcol_ref[...]
    rf = segf_ref[0, i]
    rl = segl_ref[0, i]

    def seg_step(s, carry):
        v = jnp.max(jnp.where(bv == s, acc, -_DONE), axis=0, keepdims=True)
        pooled_ref[pl.ds(s, 1), :] = jnp.maximum(pooled_ref[pl.ds(s, 1), :], v)
        return carry

    lax.fori_loop(rf, rl + 1, seg_step, 0)


def _stage4(segf, segl, pp, g, bcol, W2, b2, g2, be2):
    return pl.pallas_call(
        _mlp_body,
        grid=(_NRB,),
        in_specs=[
            pl.BlockSpec(memory_space=pltpu.SMEM),
            pl.BlockSpec(memory_space=pltpu.SMEM),
            pl.BlockSpec((_RB, _D), lambda i: (i, 0)),
            pl.BlockSpec((2, _K, _RB, 128), lambda i: (0, 0, i, 0)),
            pl.BlockSpec((_RB, 1), lambda i: (i, 0)),
            pl.BlockSpec((_D, _D), lambda i: (0, 0)),
            pl.BlockSpec((1, _D), lambda i: (0, 0)),
            pl.BlockSpec((1, _D), lambda i: (0, 0)),
            pl.BlockSpec((1, _D), lambda i: (0, 0)),
        ],
        out_specs=pl.BlockSpec((_B, _D), lambda i: (0, 0)),
        out_shape=jax.ShapeDtypeStruct((_B, _D), jnp.float32),
        compiler_params=pltpu.CompilerParams(
            dimension_semantics=("arbitrary",)),
    )(segf, segl, pp, g, bcol, W2,
      b2.reshape(1, _D), g2.reshape(1, _D), be2.reshape(1, _D))


def _head_body(p_ref, l1_ref, lb1_ref, l2_ref, lb2_ref, out_ref):
    p = jnp.maximum(p_ref[...], 0.0)
    h = jnp.maximum(jnp.dot(p, l1_ref[...], preferred_element_type=jnp.float32)
                    + lb1_ref[...], 0.0)
    o = jnp.dot(h, l2_ref[...], preferred_element_type=jnp.float32) + lb2_ref[...]
    nrm = jnp.sqrt(jnp.sum(o * o, axis=1, keepdims=True))
    out_ref[...] = o / (nrm + 1e-12)


def _stage5(pooled, L1, lb1, L2, lb2):
    return pl.pallas_call(
        _head_body,
        in_specs=[
            pl.BlockSpec((_B, _D), lambda: (0, 0)),
            pl.BlockSpec((_D, _D), lambda: (0, 0)),
            pl.BlockSpec((1, _D), lambda: (0, 0)),
            pl.BlockSpec((_D, _D), lambda: (0, 0)),
            pl.BlockSpec((1, _D), lambda: (0, 0)),
        ],
        out_specs=pl.BlockSpec((_B, _D), lambda: (0, 0)),
        out_shape=jax.ShapeDtypeStruct((_B, _D), jnp.float32),
    )(pooled, L1, lb1.reshape(1, _D), L2, lb2.reshape(1, _D))


def kernel(x, batch, W1, b1, g1, be1, W2, b2, g2, be2, L1, lb1, L2, lb2):
    batch32 = batch.astype(jnp.int32)
    bcol = batch32.reshape(_N, 1)
    brow = batch32.reshape(1, _N)
    segmat = batch32.reshape(_NRB, _RB)
    segf = segmat[:, 0]
    segl = segmat[:, -1]
    jlo = jnp.searchsorted(segl, segf, side="left").astype(jnp.int32)
    jhi = (jnp.searchsorted(segf, segl, side="right") - 1).astype(jnp.int32)

    e, sq, pp, cp2 = _stage1(x, W1, b1, g1, be1)
    sqt = sq.reshape(1, _N)
    idx = _stage2(jlo.reshape(1, _NRB), jhi.reshape(1, _NRB),
                  e, sq, bcol, sqt, brow)
    idx_cm = idx.reshape(_TOT)
    idx2 = jnp.concatenate([idx_cm, idx_cm + _N])
    g = _make_gather()(cp2.reshape(2 * _N, 128), idx2)
    g = g.reshape(2, _K, _N, 128)
    pooled = _stage4(segf.reshape(1, _NRB), segl.reshape(1, _NRB),
                     pp, g, bcol, W2, b2, g2, be2)
    return _stage5(pooled, L1, lb1, L2, lb2)

# --- scband reference (transcript-rebuilt; emitter-appended) ---
"""Pipeline reference for scband-cell-retrieval-network-42795054137741 (READ-ONLY COPY).

The authoritative reference and input builder live on the scoring server;
editing this copy changes nothing except your own understanding.
"""

import jax, jax.numpy as jnp
import numpy as np

N = 8192   # total objects across all cells in the batch
D = 256    # embed_dim
B = 64     # number of cells (scenes) in the batch
K = 8      # DynamicEdgeConv k


def setup_inputs(seed: int = 0) -> dict:
    key = jax.random.key(seed)
    ks = jax.random.split(key, 8)
    x = jax.random.normal(ks[0], (N, D), dtype=jnp.float32)
    batch = jnp.sort(jax.random.randint(ks[1], (N,), 0, B, dtype=jnp.int64))
    s1 = 1.0 / np.sqrt(2 * D)
    s2 = 1.0 / np.sqrt(D)
    # DynamicEdgeConv MLP: get_mlp([2*D, D, D], add_batchnorm=True)
    W1 = (jax.random.normal(ks[2], (2 * D, D), dtype=jnp.float32) * s1)
    b1 = jnp.zeros((D,), dtype=jnp.float32)
    g1 = jnp.ones((D,), dtype=jnp.float32)   # batchnorm affine scale (eval mode)
    be1 = jnp.zeros((D,), dtype=jnp.float32)  # batchnorm affine shift
    W2 = (jax.random.normal(ks[3], (D, D), dtype=jnp.float32) * s2)
    b2 = jnp.zeros((D,), dtype=jnp.float32)
    g2 = jnp.ones((D,), dtype=jnp.float32)
    be2 = jnp.zeros((D,), dtype=jnp.float32)
    # self.lin: get_mlp([D, D, D])
    L1 = (jax.random.normal(ks[4], (D, D), dtype=jnp.float32) * s2)
    lb1 = jnp.zeros((D,), dtype=jnp.float32)
    L2 = (jax.random.normal(ks[5], (D, D), dtype=jnp.float32) * s2)
    lb2 = jnp.zeros((D,), dtype=jnp.float32)
    return {"x": x, "batch": batch, "W1": W1, "b1": b1, "g1": g1, "be1": be1,
            "W2": W2, "b2": b2, "g2": g2, "be2": be2,
            "L1": L1, "lb1": lb1, "L2": L2, "lb2": lb2}


def reference(x, batch, W1, b1, g1, be1, W2, b2, g2, be2, L1, lb1, L2, lb2):
    # encode_objects (variation == 0): object embeddings assumed precomputed (x)
    # embeddings = F.normalize(embeddings, dim=-1)
    e = x / (jnp.linalg.norm(x, axis=-1, keepdims=True) + 1e-12)
    # DynamicEdgeConv: dynamic kNN graph (k=8) restricted within each batch segment
    sq = jnp.sum(e * e, axis=1)
    dist = sq[:, None] + sq[None, :] - 2.0 * (e @ e.T)
    diff_batch = batch[:, None] != batch[None, :]
    dist = jnp.where(diff_batch, jnp.inf, dist)
    _, idx = jax.lax.top_k(-dist, K)  # [N, K] nearest neighbors (incl. self)
    xj = e[idx]                        # gather neighbor features [N, K, D]
    xi = jnp.broadcast_to(e[:, None, :], (N, K, D))
    feat = jnp.concatenate([xi, xj - xi], axis=-1)  # edge features [x_i, x_j - x_i]
    h = jax.nn.relu((feat @ W1 + b1) * g1 + be1)
    h = jax.nn.relu((h @ W2 + b2) * g2 + be2)
    h = jnp.max(h, axis=1)             # aggr='max' over neighbors -> [N, D]
    # global_max_pool over batch
    pooled = jax.ops.segment_max(h, batch, num_segments=B)
    pooled = jnp.where(jnp.isfinite(pooled), pooled, 0.0)
    # self.lin: get_mlp([D, D, D])
    out = jax.nn.relu(pooled @ L1 + lb1)
    out = out @ L2 + lb2
    # F.normalize
    out = out / (jnp.linalg.norm(out, axis=-1, keepdims=True) + 1e-12)
    return out

if __name__ == "__main__":
    import jax
    _d = setup_inputs()
    print(jax.jit(kernel)(*tuple(_d.values())))

</pallas_src>

<mosaic_0001>
#map = affine_map<(d0, d1) -> (0, 0)>
#map1 = affine_map<(d0, d1) -> (0)>
module attributes {stable_mosaic.version = 14 : i64} {
  func.func @gather_k(%arg0: i32, %arg1: i32, %arg2: memref<16384x128xf32, #tpu.memory_space<hbm>>, %arg3: memref<131072xi32, #tpu.memory_space<hbm>>, %arg4: memref<131072x128xf32, #tpu.memory_space<hbm>>, %arg5: memref<4096xi32, #tpu.memory_space<vmem>>, %arg6: memref<256x128xf32, #tpu.memory_space<vmem>>, %arg7: memref<256x128xf32, #tpu.memory_space<vmem>>, %arg8: memref<256x128xf32, #tpu.memory_space<vmem>>, %arg9: memref<!tpu.dma_semaphore, #tpu.memory_space<semaphore_mem>>, %arg10: memref<!tpu.dma_semaphore, #tpu.memory_space<semaphore_mem>>) attributes {dimension_semantics = [#tpu.dimension_semantics<core_parallel>, #tpu.dimension_semantics<subcore_parallel>], iteration_bounds = array<i64: 2, 16>, scalar_prefetch = 0 : i64, scratch_operands = 6 : i64, tpu.core_type = #tpu.core_type<sc_vector_subcore>, window_params = [{transform_indices = #map}, {transform_indices = #map1}, {transform_indices = #map}]} {
    %mul3A = arith.constant 2 : i32
    %mul3A_0 = arith.muli %arg1, %mul3A : i32
    %add3A = arith.addi %mul3A_0, %arg0 : i32
    %mul3A_1 = arith.constant 4096 : i32
    %mul3A_2 = arith.muli %add3A, %mul3A_1 : i32
    "tpu.region"() ({
      %run_scoped3A = tpu.sem_alloc : memref<!tpu.dma_semaphore, #tpu.memory_space<semaphore_mem>>
      %dma_start3A_321 = tpu.memref_slice %arg3[%mul3A_2] : memref<131072xi32, #tpu.memory_space<hbm>> -> memref<4096xi32, #tpu.memory_space<hbm>>
      %dma_start3A_322 = tpu.memref_slice %arg3[%mul3A_2] : memref<131072xi32, #tpu.memory_space<hbm>> -> memref<4096xi32, #tpu.memory_space<hbm>>
      tpu.enqueue_dma source(%dma_start3A_322 : memref<4096xi32, #tpu.memory_space<hbm>>) target(%arg5 : memref<4096xi32, #tpu.memory_space<vmem>>) target_semaphore(%run_scoped3A : memref<!tpu.dma_semaphore, #tpu.memory_space<semaphore_mem>>)
      %dma_wait3A_323 = tpu.memref_slice %arg3[%mul3A_2] : memref<131072xi32, #tpu.memory_space<hbm>> -> memref<4096xi32, #tpu.memory_space<hbm>>
      %dma_wait3A_324 = tpu.memref_slice %arg3[%mul3A_2] : memref<131072xi32, #tpu.memory_space<hbm>> -> memref<4096xi32, #tpu.memory_space<hbm>>
      tpu.wait_dma2 semaphore(%run_scoped3A : memref<!tpu.dma_semaphore, #tpu.memory_space<semaphore_mem>>) src(%dma_wait3A_324 : memref<4096xi32, #tpu.memory_space<hbm>>) dst(%arg5 : memref<4096xi32, #tpu.memory_space<vmem>>)
      tpu.yield
    }) : () -> ()
    %dma_start3A = arith.constant 0 : i32
    %dma_start3A_3 = tpu.memref_slice %arg5[%dma_start3A] : memref<4096xi32, #tpu.memory_space<vmem>> -> memref<256xi32, #tpu.memory_space<vmem>>
    %dma_start3A_4 = arith.constant 0 : i32
    %dma_start3A_5 = arith.constant 0 : i32
    %dma_start3A_6 = tpu.memref_slice %arg2[%dma_start3A_4, %dma_start3A_5] : memref<16384x128xf32, #tpu.memory_space<hbm>> -> memref<16384x128xf32, #tpu.memory_space<hbm>>
    tpu.enqueue_indirect_dma source(%dma_start3A_6 : memref<16384x128xf32, #tpu.memory_space<hbm>>) target(%arg6 : memref<256x128xf32, #tpu.memory_space<vmem>>) offsets(%dma_start3A_3 : memref<256xi32, #tpu.memory_space<vmem>>) semaphore(%arg9 : memref<!tpu.dma_semaphore, #tpu.memory_space<semaphore_mem>>)
    %dma_start3A_7 = arith.constant 256 : i32
    %dma_start3A_8 = tpu.memref_slice %arg5[%dma_start3A_7] : memref<4096xi32, #tpu.memory_space<vmem>> -> memref<256xi32, #tpu.memory_space<vmem>>
    %dma_start3A_9 = arith.constant 0 : i32
    %dma_start3A_10 = arith.constant 0 : i32
    %dma_start3A_11 = tpu.memref_slice %arg2[%dma_start3A_9, %dma_start3A_10] : memref<16384x128xf32, #tpu.memory_space<hbm>> -> memref<16384x128xf32, #tpu.memory_space<hbm>>
    tpu.enqueue_indirect_dma source(%dma_start3A_11 : memref<16384x128xf32, #tpu.memory_space<hbm>>) target(%arg7 : memref<256x128xf32, #tpu.memory_space<vmem>>) offsets(%dma_start3A_8 : memref<256xi32, #tpu.memory_space<vmem>>) semaphore(%arg9 : memref<!tpu.dma_semaphore, #tpu.memory_space<semaphore_mem>>)
    %dma_start3A_12 = arith.constant 512 : i32
    %dma_start3A_13 = tpu.memref_slice %arg5[%dma_start3A_12] : memref<4096xi32, #tpu.memory_space<vmem>> -> memref<256xi32, #tpu.memory_space<vmem>>
    %dma_start3A_14 = arith.constant 0 : i32
    %dma_start3A_15 = arith.constant 0 : i32
    %dma_start3A_16 = tpu.memref_slice %arg2[%dma_start3A_14, %dma_start3A_15] : memref<16384x128xf32, #tpu.memory_space<hbm>> -> memref<16384x128xf32, #tpu.memory_space<hbm>>
    tpu.enqueue_indirect_dma source(%dma_start3A_16 : memref<16384x128xf32, #tpu.memory_space<hbm>>) target(%arg8 : memref<256x128xf32, #tpu.memory_space<vmem>>) offsets(%dma_start3A_13 : memref<256xi32, #tpu.memory_space<vmem>>) semaphore(%arg9 : memref<!tpu.dma_semaphore, #tpu.memory_space<semaphore_mem>>)
    %dma_wait3A = arith.constant 0 : i32
    %dma_wait3A_17 = tpu.memref_slice %arg5[%dma_wait3A] : memref<4096xi32, #tpu.memory_space<vmem>> -> memref<256xi32, #tpu.memory_space<vmem>>
    %dma_wait3A_18 = arith.constant 0 : i32
    %dma_wait3A_19 = arith.constant 0 : i32
    %dma_wait3A_20 = tpu.memref_slice %arg2[%dma_wait3A_18, %dma_wait3A_19] : memref<16384x128xf32, #tpu.memory_space<hbm>> -> memref<16384x128xf32, #tpu.memory_space<hbm>>
    tpu.wait_indirect_dma semaphore(%arg9 : memref<!tpu.dma_semaphore, #tpu.memory_space<semaphore_mem>>) src(%dma_wait3A_20 : memref<16384x128xf32, #tpu.memory_space<hbm>>) dst(%arg6 : memref<256x128xf32, #tpu.memory_space<vmem>>)
    %add3A_21 = arith.constant 0 : i32
    %add3A_22 = arith.addi %mul3A_2, %add3A_21 : i32
    %dma_start3A_23 = arith.constant 0 : i32
    %dma_start3A_24 = tpu.memref_slice %arg4[%add3A_22, %dma_start3A_23] : memref<131072x128xf32, #tpu.memory_space<hbm>> -> memref<256x128xf32, #tpu.memory_space<hbm>>
    %dma_start3A_25 = arith.constant 0 : i32
    %dma_start3A_26 = tpu.memref_slice %arg4[%add3A_22, %dma_start3A_25] : memref<131072x128xf32, #tpu.memory_space<hbm>> -> memref<256x128xf32, #tpu.memory_space<hbm>>
    tpu.enqueue_dma source(%arg6 : memref<256x128xf32, #tpu.memory_space<vmem>>) target(%dma_start3A_26 : memref<256x128xf32, #tpu.memory_space<hbm>>) target_semaphore(%arg10 : memref<!tpu.dma_semaphore, #tpu.memory_space<semaphore_mem>>)
    %dma_wait3A_27 = arith.constant 0 : i32
    %dma_wait3A_28 = tpu.memref_slice %arg4[%add3A_22, %dma_wait3A_27] : memref<131072x128xf32, #tpu.memory_space<hbm>> -> memref<256x128xf32, #tpu.memory_space<hbm>>
    %dma_wait3A_29 = arith.constant 0 : i32
    %dma_wait3A_30 = tpu.memref_slice %arg4[%add3A_22, %dma_wait3A_29] : memref<131072x128xf32, #tpu.memory_space<hbm>> -> memref<256x128xf32, #tpu.memory_space<hbm>>
    tpu.wait_dma2 semaphore(%arg10 : memref<!tpu.dma_semaphore, #tpu.memory_space<semaphore_mem>>) src(%arg6 : memref<256x128xf32, #tpu.memory_space<vmem>>) dst(%dma_wait3A_30 : memref<256x128xf32, #tpu.memory_space<hbm>>)
    %dma_start3A_31 = arith.constant 768 : i32
    %dma_start3A_32 = tpu.memref_slice %arg5[%dma_start3A_31] : memref<4096xi32, #tpu.memory_space<vmem>> -> memref<256xi32, #tpu.memory_space<vmem>>
    %dma_start3A_33 = arith.constant 0 : i32
    %dma_start3A_34 = arith.constant 0 : i32
    %dma_start3A_35 = tpu.memref_slice %arg2[%dma_start3A_33, %dma_start3A_34] : memref<16384x128xf32, #tpu.memory_space<hbm>> -> memref<16384x128xf32, #tpu.memory_space<hbm>>
    tpu.enqueue_indirect_dma source(%dma_start3A_35 : memref<16384x128xf32, #tpu.memory_space<hbm>>) target(%arg6 : memref<256x128xf32, #tpu.memory_space<vmem>>) offsets(%dma_start3A_32 : memref<256xi32, #tpu.memory_space<vmem>>) semaphore(%arg9 : memref<!tpu.dma_semaphore, #tpu.memory_space<semaphore_mem>>)
    %dma_wait3A_36 = arith.constant 256 : i32
    %dma_wait3A_37 = tpu.memref_slice %arg5[%dma_wait3A_36] : memref<4096xi32, #tpu.memory_space<vmem>> -> memref<256xi32, #tpu.memory_space<vmem>>
    %dma_wait3A_38 = arith.constant 0 : i32
    %dma_wait3A_39 = arith.constant 0 : i32
    %dma_wait3A_40 = tpu.memref_slice %arg2[%dma_wait3A_38, %dma_wait3A_39] : memref<16384x128xf32, #tpu.memory_space<hbm>> -> memref<16384x128xf32, #tpu.memory_space<hbm>>
    tpu.wait_indirect_dma semaphore(%arg9 : memref<!tpu.dma_semaphore, #tpu.memory_space<semaphore_mem>>) src(%dma_wait3A_40 : memref<16384x128xf32, #tpu.memory_space<hbm>>) dst(%arg7 : memref<256x128xf32, #tpu.memory_space<vmem>>)
    %add3A_41 = arith.constant 256 : i32
    %add3A_42 = arith.addi %mul3A_2, %add3A_41 : i32
    %dma_start3A_43 = arith.constant 0 : i32
    %dma_start3A_44 = tpu.memref_slice %arg4[%add3A_42, %dma_start3A_43] : memref<131072x128xf32, #tpu.memory_space<hbm>> -> memref<256x128xf32, #tpu.memory_space<hbm>>
    %dma_start3A_45 = arith.constant 0 : i32
    %dma_start3A_46 = tpu.memref_slice %arg4[%add3A_42, %dma_start3A_45] : memref<131072x128xf32, #tpu.memory_space<hbm>> -> memref<256x128xf32, #tpu.memory_space<hbm>>
    tpu.enqueue_dma source(%arg7 : memref<256x128xf32, #tpu.memory_space<vmem>>) target(%dma_start3A_46 : memref<256x128xf32, #tpu.memory_space<hbm>>) target_semaphore(%arg10 : memref<!tpu.dma_semaphore, #tpu.memory_space<semaphore_mem>>)
    %dma_wait3A_47 = arith.constant 0 : i32
    %dma_wait3A_48 = tpu.memref_slice %arg4[%add3A_42, %dma_wait3A_47] : memref<131072x128xf32, #tpu.memory_space<hbm>> -> memref<256x128xf32, #tpu.memory_space<hbm>>
    %dma_wait3A_49 = arith.constant 0 : i32
    %dma_wait3A_50 = tpu.memref_slice %arg4[%add3A_42, %dma_wait3A_49] : memref<131072x128xf32, #tpu.memory_space<hbm>> -> memref<256x128xf32, #tpu.memory_space<hbm>>
    tpu.wait_dma2 semaphore(%arg10 : memref<!tpu.dma_semaphore, #tpu.memory_space<semaphore_mem>>) src(%arg7 : memref<256x128xf32, #tpu.memory_space<vmem>>) dst(%dma_wait3A_50 : memref<256x128xf32, #tpu.memory_space<hbm>>)
    %dma_start3A_51 = arith.constant 1024 : i32
    %dma_start3A_52 = tpu.memref_slice %arg5[%dma_start3A_51] : memref<4096xi32, #tpu.memory_space<vmem>> -> memref<256xi32, #tpu.memory_space<vmem>>
    %dma_start3A_53 = arith.constant 0 : i32
    %dma_start3A_54 = arith.constant 0 : i32
    %dma_start3A_55 = tpu.memref_slice %arg2[%dma_start3A_53, %dma_start3A_54] : memref<16384x128xf32, #tpu.memory_space<hbm>> -> memref<16384x128xf32, #tpu.memory_space<hbm>>
    tpu.enqueue_indirect_dma source(%dma_start3A_55 : memref<16384x128xf32, #tpu.memory_space<hbm>>) target(%arg7 : memref<256x128xf32, #tpu.memory_space<vmem>>) offsets(%dma_start3A_52 : memref<256xi32, #tpu.memory_space<vmem>>) semaphore(%arg9 : memref<!tpu.dma_semaphore, #tpu.memory_space<semaphore_mem>>)
    %dma_wait3A_56 = arith.constant 512 : i32
    %dma_wait3A_57 = tpu.memref_slice %arg5[%dma_wait3A_56] : memref<4096xi32, #tpu.memory_space<vmem>> -> memref<256xi32, #tpu.memory_space<vmem>>
    %dma_wait3A_58 = arith.constant 0 : i32
    %dma_wait3A_59 = arith.constant 0 : i32
    %dma_wait3A_60 = tpu.memref_slice %arg2[%dma_wait3A_58, %dma_wait3A_59] : memref<16384x128xf32, #tpu.memory_space<hbm>> -> memref<16384x128xf32, #tpu.memory_space<hbm>>
    tpu.wait_indirect_dma semaphore(%arg9 : memref<!tpu.dma_semaphore, #tpu.memory_space<semaphore_mem>>) src(%dma_wait3A_60 : memref<16384x128xf32, #tpu.memory_space<hbm>>) dst(%arg8 : memref<256x128xf32, #tpu.memory_space<vmem>>)
    %add3A_61 = arith.constant 512 : i32
    %add3A_62 = arith.addi %mul3A_2, %add3A_61 : i32
    %dma_start3A_63 = arith.constant 0 : i32
    %dma_start3A_64 = tpu.memref_slice %arg4[%add3A_62, %dma_start3A_63] : memref<131072x128xf32, #tpu.memory_space<hbm>> -> memref<256x128xf32, #tpu.memory_space<hbm>>
    %dma_start3A_65 = arith.constant 0 : i32
    %dma_start3A_66 = tpu.memref_slice %arg4[%add3A_62, %dma_start3A_65] : memref<131072x128xf32, #tpu.memory_space<hbm>> -> memref<256x128xf32, #tpu.memory_space<hbm>>
    tpu.enqueue_dma source(%arg8 : memref<256x128xf32, #tpu.memory_space<vmem>>) target(%dma_start3A_66 : memref<256x128xf32, #tpu.memory_space<hbm>>) target_semaphore(%arg10 : memref<!tpu.dma_semaphore, #tpu.memory_space<semaphore_mem>>)
    %dma_wait3A_67 = arith.constant 0 : i32
    %dma_wait3A_68 = tpu.memref_slice %arg4[%add3A_62, %dma_wait3A_67] : memref<131072x128xf32, #tpu.memory_space<hbm>> -> memref<256x128xf32, #tpu.memory_space<hbm>>
    %dma_wait3A_69 = arith.constant 0 : i32
    %dma_wait3A_70 = tpu.memref_slice %arg4[%add3A_62, %dma_wait3A_69] : memref<131072x128xf32, #tpu.memory_space<hbm>> -> memref<256x128xf32, #tpu.memory_space<hbm>>
    tpu.wait_dma2 semaphore(%arg10 : memref<!tpu.dma_semaphore, #tpu.memory_space<semaphore_mem>>) src(%arg8 : memref<256x128xf32, #tpu.memory_space<vmem>>) dst(%dma_wait3A_70 : memref<256x128xf32, #tpu.memory_space<hbm>>)
    %dma_start3A_71 = arith.constant 1280 : i32
    %dma_start3A_72 = tpu.memref_slice %arg5[%dma_start3A_71] : memref<4096xi32, #tpu.memory_space<vmem>> -> memref<256xi32, #tpu.memory_space<vmem>>
    %dma_start3A_73 = arith.constant 0 : i32
    %dma_start3A_74 = arith.constant 0 : i32
    %dma_start3A_75 = tpu.memref_slice %arg2[%dma_start3A_73, %dma_start3A_74] : memref<16384x128xf32, #tpu.memory_space<hbm>> -> memref<16384x128xf32, #tpu.memory_space<hbm>>
    tpu.enqueue_indirect_dma source(%dma_start3A_75 : memref<16384x128xf32, #tpu.memory_space<hbm>>) target(%arg8 : memref<256x128xf32, #tpu.memory_space<vmem>>) offsets(%dma_start3A_72 : memref<256xi32, #tpu.memory_space<vmem>>) semaphore(%arg9 : memref<!tpu.dma_semaphore, #tpu.memory_space<semaphore_mem>>)
    %dma_wait3A_76 = arith.constant 768 : i32
    %dma_wait3A_77 = tpu.memref_slice %arg5[%dma_wait3A_76] : memref<4096xi32, #tpu.memory_space<vmem>> -> memref<256xi32, #tpu.memory_space<vmem>>
    %dma_wait3A_78 = arith.constant 0 : i32
    %dma_wait3A_79 = arith.constant 0 : i32
    %dma_wait3A_80 = tpu.memref_slice %arg2[%dma_wait3A_78, %dma_wait3A_79] : memref<16384x128xf32, #tpu.memory_space<hbm>> -> memref<16384x128xf32, #tpu.memory_space<hbm>>
    tpu.wait_indirect_dma semaphore(%arg9 : memref<!tpu.dma_semaphore, #tpu.memory_space<semaphore_mem>>) src(%dma_wait3A_80 : memref<16384x128xf32, #tpu.memory_space<hbm>>) dst(%arg6 : memref<256x128xf32, #tpu.memory_space<vmem>>)
    %add3A_81 = arith.constant 768 : i32
    %add3A_82 = arith.addi %mul3A_2, %add3A_81 : i32
    %dma_start3A_83 = arith.constant 0 : i32
    %dma_start3A_84 = tpu.memref_slice %arg4[%add3A_82, %dma_start3A_83] : memref<131072x128xf32, #tpu.memory_space<hbm>> -> memref<256x128xf32, #tpu.memory_space<hbm>>
    %dma_start3A_85 = arith.constant 0 : i32
    %dma_start3A_86 = tpu.memref_slice %arg4[%add3A_82, %dma_start3A_85] : memref<131072x128xf32, #tpu.memory_space<hbm>> -> memref<256x128xf32, #tpu.memory_space<hbm>>
    tpu.enqueue_dma source(%arg6 : memref<256x128xf32, #tpu.memory_space<vmem>>) target(%dma_start3A_86 : memref<256x128xf32, #tpu.memory_space<hbm>>) target_semaphore(%arg10 : memref<!tpu.dma_semaphore, #tpu.memory_space<semaphore_mem>>)
    %dma_wait3A_87 = arith.constant 0 : i32
    %dma_wait3A_88 = tpu.memref_slice %arg4[%add3A_82, %dma_wait3A_87] : memref<131072x128xf32, #tpu.memory_space<hbm>> -> memref<256x128xf32, #tpu.memory_space<hbm>>
    %dma_wait3A_89 = arith.constant 0 : i32
    %dma_wait3A_90 = tpu.memref_slice %arg4[%add3A_82, %dma_wait3A_89] : memref<131072x128xf32, #tpu.memory_space<hbm>> -> memref<256x128xf32, #tpu.memory_space<hbm>>
    tpu.wait_dma2 semaphore(%arg10 : memref<!tpu.dma_semaphore, #tpu.memory_space<semaphore_mem>>) src(%arg6 : memref<256x128xf32, #tpu.memory_space<vmem>>) dst(%dma_wait3A_90 : memref<256x128xf32, #tpu.memory_space<hbm>>)
    %dma_start3A_91 = arith.constant 1536 : i32
    %dma_start3A_92 = tpu.memref_slice %arg5[%dma_start3A_91] : memref<4096xi32, #tpu.memory_space<vmem>> -> memref<256xi32, #tpu.memory_space<vmem>>
    %dma_start3A_93 = arith.constant 0 : i32
    %dma_start3A_94 = arith.constant 0 : i32
    %dma_start3A_95 = tpu.memref_slice %arg2[%dma_start3A_93, %dma_start3A_94] : memref<16384x128xf32, #tpu.memory_space<hbm>> -> memref<16384x128xf32, #tpu.memory_space<hbm>>
    tpu.enqueue_indirect_dma source(%dma_start3A_95 : memref<16384x128xf32, #tpu.memory_space<hbm>>) target(%arg6 : memref<256x128xf32, #tpu.memory_space<vmem>>) offsets(%dma_start3A_92 : memref<256xi32, #tpu.memory_space<vmem>>) semaphore(%arg9 : memref<!tpu.dma_semaphore, #tpu.memory_space<semaphore_mem>>)
    %dma_wait3A_96 = arith.constant 1024 : i32
    %dma_wait3A_97 = tpu.memref_slice %arg5[%dma_wait3A_96] : memref<4096xi32, #tpu.memory_space<vmem>> -> memref<256xi32, #tpu.memory_space<vmem>>
    %dma_wait3A_98 = arith.constant 0 : i32
    %dma_wait3A_99 = arith.constant 0 : i32
    %dma_wait3A_100 = tpu.memref_slice %arg2[%dma_wait3A_98, %dma_wait3A_99] : memref<16384x128xf32, #tpu.memory_space<hbm>> -> memref<16384x128xf32, #tpu.memory_space<hbm>>
    tpu.wait_indirect_dma semaphore(%arg9 : memref<!tpu.dma_semaphore, #tpu.memory_space<semaphore_mem>>) src(%dma_wait3A_100 : memref<16384x128xf32, #tpu.memory_space<hbm>>) dst(%arg7 : memref<256x128xf32, #tpu.memory_space<vmem>>)
    %add3A_101 = arith.constant 1024 : i32
    %add3A_102 = arith.addi %mul3A_2, %add3A_101 : i32
    %dma_start3A_103 = arith.constant 0 : i32
    %dma_start3A_104 = tpu.memref_slice %arg4[%add3A_102, %dma_start3A_103] : memref<131072x128xf32, #tpu.memory_space<hbm>> -> memref<256x128xf32, #tpu.memory_space<hbm>>
    %dma_start3A_105 = arith.constant 0 : i32
    %dma_start3A_106 = tpu.memref_slice %arg4[%add3A_102, %dma_start3A_105] : memref<131072x128xf32, #tpu.memory_space<hbm>> -> memref<256x128xf32, #tpu.memory_space<hbm>>
    tpu.enqueue_dma source(%arg7 : memref<256x128xf32, #tpu.memory_space<vmem>>) target(%dma_start3A_106 : memref<256x128xf32, #tpu.memory_space<hbm>>) target_semaphore(%arg10 : memref<!tpu.dma_semaphore, #tpu.memory_space<semaphore_mem>>)
    %dma_wait3A_107 = arith.constant 0 : i32
    %dma_wait3A_108 = tpu.memref_slice %arg4[%add3A_102, %dma_wait3A_107] : memref<131072x128xf32, #tpu.memory_space<hbm>> -> memref<256x128xf32, #tpu.memory_space<hbm>>
    %dma_wait3A_109 = arith.constant 0 : i32
    %dma_wait3A_110 = tpu.memref_slice %arg4[%add3A_102, %dma_wait3A_109] : memref<131072x128xf32, #tpu.memory_space<hbm>> -> memref<256x128xf32, #tpu.memory_space<hbm>>
    tpu.wait_dma2 semaphore(%arg10 : memref<!tpu.dma_semaphore, #tpu.memory_space<semaphore_mem>>) src(%arg7 : memref<256x128xf32, #tpu.memory_space<vmem>>) dst(%dma_wait3A_110 : memref<256x128xf32, #tpu.memory_space<hbm>>)
    %dma_start3A_111 = arith.constant 1792 : i32
    %dma_start3A_112 = tpu.memref_slice %arg5[%dma_start3A_111] : memref<4096xi32, #tpu.memory_space<vmem>> -> memref<256xi32, #tpu.memory_space<vmem>>
    %dma_start3A_113 = arith.constant 0 : i32
    %dma_start3A_114 = arith.constant 0 : i32
    %dma_start3A_115 = tpu.memref_slice %arg2[%dma_start3A_113, %dma_start3A_114] : memref<16384x128xf32, #tpu.memory_space<hbm>> -> memref<16384x128xf32, #tpu.memory_space<hbm>>
    tpu.enqueue_indirect_dma source(%dma_start3A_115 : memref<16384x128xf32, #tpu.memory_space<hbm>>) target(%arg7 : memref<256x128xf32, #tpu.memory_space<vmem>>) offsets(%dma_start3A_112 : memref<256xi32, #tpu.memory_space<vmem>>) semaphore(%arg9 : memref<!tpu.dma_semaphore, #tpu.memory_space<semaphore_mem>>)
    %dma_wait3A_116 = arith.constant 1280 : i32
    %dma_wait3A_117 = tpu.memref_slice %arg5[%dma_wait3A_116] : memref<4096xi32, #tpu.memory_space<vmem>> -> memref<256xi32, #tpu.memory_space<vmem>>
    %dma_wait3A_118 = arith.constant 0 : i32
    %dma_wait3A_119 = arith.constant 0 : i32
    %dma_wait3A_120 = tpu.memref_slice %arg2[%dma_wait3A_118, %dma_wait3A_119] : memref<16384x128xf32, #tpu.memory_space<hbm>> -> memref<16384x128xf32, #tpu.memory_space<hbm>>
    tpu.wait_indirect_dma semaphore(%arg9 : memref<!tpu.dma_semaphore, #tpu.memory_space<semaphore_mem>>) src(%dma_wait3A_120 : memref<16384x128xf32, #tpu.memory_space<hbm>>) dst(%arg8 : memref<256x128xf32, #tpu.memory_space<vmem>>)
    %add3A_121 = arith.constant 1280 : i32
    %add3A_122 = arith.addi %mul3A_2, %add3A_121 : i32
    %dma_start3A_123 = arith.constant 0 : i32
    %dma_start3A_124 = tpu.memref_slice %arg4[%add3A_122, %dma_start3A_123] : memref<131072x128xf32, #tpu.memory_space<hbm>> -> memref<256x128xf32, #tpu.memory_space<hbm>>
    %dma_start3A_125 = arith.constant 0 : i32
    %dma_start3A_126 = tpu.memref_slice %arg4[%add3A_122, %dma_start3A_125] : memref<131072x128xf32, #tpu.memory_space<hbm>> -> memref<256x128xf32, #tpu.memory_space<hbm>>
    tpu.enqueue_dma source(%arg8 : memref<256x128xf32, #tpu.memory_space<vmem>>) target(%dma_start3A_126 : memref<256x128xf32, #tpu.memory_space<hbm>>) target_semaphore(%arg10 : memref<!tpu.dma_semaphore, #tpu.memory_space<semaphore_mem>>)
    %dma_wait3A_127 = arith.constant 0 : i32
    %dma_wait3A_128 = tpu.memref_slice %arg4[%add3A_122, %dma_wait3A_127] : memref<131072x128xf32, #tpu.memory_space<hbm>> -> memref<256x128xf32, #tpu.memory_space<hbm>>
    %dma_wait3A_129 = arith.constant 0 : i32
    %dma_wait3A_130 = tpu.memref_slice %arg4[%add3A_122, %dma_wait3A_129] : memref<131072x128xf32, #tpu.memory_space<hbm>> -> memref<256x128xf32, #tpu.memory_space<hbm>>
    tpu.wait_dma2 semaphore(%arg10 : memref<!tpu.dma_semaphore, #tpu.memory_space<semaphore_mem>>) src(%arg8 : memref<256x128xf32, #tpu.memory_space<vmem>>) dst(%dma_wait3A_130 : memref<256x128xf32, #tpu.memory_space<hbm>>)
    %dma_start3A_131 = arith.constant 2048 : i32
    %dma_start3A_132 = tpu.memref_slice %arg5[%dma_start3A_131] : memref<4096xi32, #tpu.memory_space<vmem>> -> memref<256xi32, #tpu.memory_space<vmem>>
    %dma_start3A_133 = arith.constant 0 : i32
    %dma_start3A_134 = arith.constant 0 : i32
    %dma_start3A_135 = tpu.memref_slice %arg2[%dma_start3A_133, %dma_start3A_134] : memref<16384x128xf32, #tpu.memory_space<hbm>> -> memref<16384x128xf32, #tpu.memory_space<hbm>>
    tpu.enqueue_indirect_dma source(%dma_start3A_135 : memref<16384x128xf32, #tpu.memory_space<hbm>>) target(%arg8 : memref<256x128xf32, #tpu.memory_space<vmem>>) offsets(%dma_start3A_132 : memref<256xi32, #tpu.memory_space<vmem>>) semaphore(%arg9 : memref<!tpu.dma_semaphore, #tpu.memory_space<semaphore_mem>>)
    %dma_wait3A_136 = arith.constant 1536 : i32
    %dma_wait3A_137 = tpu.memref_slice %arg5[%dma_wait3A_136] : memref<4096xi32, #tpu.memory_space<vmem>> -> memref<256xi32, #tpu.memory_space<vmem>>
    %dma_wait3A_138 = arith.constant 0 : i32
    %dma_wait3A_139 = arith.constant 0 : i32
    %dma_wait3A_140 = tpu.memref_slice %arg2[%dma_wait3A_138, %dma_wait3A_139] : memref<16384x128xf32, #tpu.memory_space<hbm>> -> memref<16384x128xf32, #tpu.memory_space<hbm>>
    tpu.wait_indirect_dma semaphore(%arg9 : memref<!tpu.dma_semaphore, #tpu.memory_space<semaphore_mem>>) src(%dma_wait3A_140 : memref<16384x128xf32, #tpu.memory_space<hbm>>) dst(%arg6 : memref<256x128xf32, #tpu.memory_space<vmem>>)
    %add3A_141 = arith.constant 1536 : i32
    %add3A_142 = arith.addi %mul3A_2, %add3A_141 : i32
    %dma_start3A_143 = arith.constant 0 : i32
    %dma_start3A_144 = tpu.memref_slice %arg4[%add3A_142, %dma_start3A_143] : memref<131072x128xf32, #tpu.memory_space<hbm>> -> memref<256x128xf32, #tpu.memory_space<hbm>>
    %dma_start3A_145 = arith.constant 0 : i32
    %dma_start3A_146 = tpu.memref_slice %arg4[%add3A_142, %dma_start3A_145] : memref<131072x128xf32, #tpu.memory_space<hbm>> -> memref<256x128xf32, #tpu.memory_space<hbm>>
    tpu.enqueue_dma source(%arg6 : memref<256x128xf32, #tpu.memory_space<vmem>>) target(%dma_start3A_146 : memref<256x128xf32, #tpu.memory_space<hbm>>) target_semaphore(%arg10 : memref<!tpu.dma_semaphore, #tpu.memory_space<semaphore_mem>>)
    %dma_wait3A_147 = arith.constant 0 : i32
    %dma_wait3A_148 = tpu.memref_slice %arg4[%add3A_142, %dma_wait3A_147] : memref<131072x128xf32, #tpu.memory_space<hbm>> -> memref<256x128xf32, #tpu.memory_space<hbm>>
    %dma_wait3A_149 = arith.constant 0 : i32
    %dma_wait3A_150 = tpu.memref_slice %arg4[%add3A_142, %dma_wait3A_149] : memref<131072x128xf32, #tpu.memory_space<hbm>> -> memref<256x128xf32, #tpu.memory_space<hbm>>
    tpu.wait_dma2 semaphore(%arg10 : memref<!tpu.dma_semaphore, #tpu.memory_space<semaphore_mem>>) src(%arg6 : memref<256x128xf32, #tpu.memory_space<vmem>>) dst(%dma_wait3A_150 : memref<256x128xf32, #tpu.memory_space<hbm>>)
    %dma_start3A_151 = arith.constant 2304 : i32
    %dma_start3A_152 = tpu.memref_slice %arg5[%dma_start3A_151] : memref<4096xi32, #tpu.memory_space<vmem>> -> memref<256xi32, #tpu.memory_space<vmem>>
    %dma_start3A_153 = arith.constant 0 : i32
    %dma_start3A_154 = arith.constant 0 : i32
    %dma_start3A_155 = tpu.memref_slice %arg2[%dma_start3A_153, %dma_start3A_154] : memref<16384x128xf32, #tpu.memory_space<hbm>> -> memref<16384x128xf32, #tpu.memory_space<hbm>>
    tpu.enqueue_indirect_dma source(%dma_start3A_155 : memref<16384x128xf32, #tpu.memory_space<hbm>>) target(%arg6 : memref<256x128xf32, #tpu.memory_space<vmem>>) offsets(%dma_start3A_152 : memref<256xi32, #tpu.memory_space<vmem>>) semaphore(%arg9 : memref<!tpu.dma_semaphore, #tpu.memory_space<semaphore_mem>>)
    %dma_wait3A_156 = arith.constant 1792 : i32
    %dma_wait3A_157 = tpu.memref_slice %arg5[%dma_wait3A_156] : memref<4096xi32, #tpu.memory_space<vmem>> -> memref<256xi32, #tpu.memory_space<vmem>>
    %dma_wait3A_158 = arith.constant 0 : i32
    %dma_wait3A_159 = arith.constant 0 : i32
    %dma_wait3A_160 = tpu.memref_slice %arg2[%dma_wait3A_158, %dma_wait3A_159] : memref<16384x128xf32, #tpu.memory_space<hbm>> -> memref<16384x128xf32, #tpu.memory_space<hbm>>
    tpu.wait_indirect_dma semaphore(%arg9 : memref<!tpu.dma_semaphore, #tpu.memory_space<semaphore_mem>>) src(%dma_wait3A_160 : memref<16384x128xf32, #tpu.memory_space<hbm>>) dst(%arg7 : memref<256x128xf32, #tpu.memory_space<vmem>>)
    %add3A_161 = arith.constant 1792 : i32
    %add3A_162 = arith.addi %mul3A_2, %add3A_161 : i32
    %dma_start3A_163 = arith.constant 0 : i32
    %dma_start3A_164 = tpu.memref_slice %arg4[%add3A_162, %dma_start3A_163] : memref<131072x128xf32, #tpu.memory_space<hbm>> -> memref<256x128xf32, #tpu.memory_space<hbm>>
    %dma_start3A_165 = arith.constant 0 : i32
    %dma_start3A_166 = tpu.memref_slice %arg4[%add3A_162, %dma_start3A_165] : memref<131072x128xf32, #tpu.memory_space<hbm>> -> memref<256x128xf32, #tpu.memory_space<hbm>>
    tpu.enqueue_dma source(%arg7 : memref<256x128xf32, #tpu.memory_space<vmem>>) target(%dma_start3A_166 : memref<256x128xf32, #tpu.memory_space<hbm>>) target_semaphore(%arg10 : memref<!tpu.dma_semaphore, #tpu.memory_space<semaphore_mem>>)
    %dma_wait3A_167 = arith.constant 0 : i32
    %dma_wait3A_168 = tpu.memref_slice %arg4[%add3A_162, %dma_wait3A_167] : memref<131072x128xf32, #tpu.memory_space<hbm>> -> memref<256x128xf32, #tpu.memory_space<hbm>>
    %dma_wait3A_169 = arith.constant 0 : i32
    %dma_wait3A_170 = tpu.memref_slice %arg4[%add3A_162, %dma_wait3A_169] : memref<131072x128xf32, #tpu.memory_space<hbm>> -> memref<256x128xf32, #tpu.memory_space<hbm>>
    tpu.wait_dma2 semaphore(%arg10 : memref<!tpu.dma_semaphore, #tpu.memory_space<semaphore_mem>>) src(%arg7 : memref<256x128xf32, #tpu.memory_space<vmem>>) dst(%dma_wait3A_170 : memref<256x128xf32, #tpu.memory_space<hbm>>)
    %dma_start3A_171 = arith.constant 2560 : i32
    %dma_start3A_172 = tpu.memref_slice %arg5[%dma_start3A_171] : memref<4096xi32, #tpu.memory_space<vmem>> -> memref<256xi32, #tpu.memory_space<vmem>>
    %dma_start3A_173 = arith.constant 0 : i32
    %dma_start3A_174 = arith.constant 0 : i32
    %dma_start3A_175 = tpu.memref_slice %arg2[%dma_start3A_173, %dma_start3A_174] : memref<16384x128xf32, #tpu.memory_space<hbm>> -> memref<16384x128xf32, #tpu.memory_space<hbm>>
    tpu.enqueue_indirect_dma source(%dma_start3A_175 : memref<16384x128xf32, #tpu.memory_space<hbm>>) target(%arg7 : memref<256x128xf32, #tpu.memory_space<vmem>>) offsets(%dma_start3A_172 : memref<256xi32, #tpu.memory_space<vmem>>) semaphore(%arg9 : memref<!tpu.dma_semaphore, #tpu.memory_space<semaphore_mem>>)
    %dma_wait3A_176 = arith.constant 2048 : i32
    %dma_wait3A_177 = tpu.memref_slice %arg5[%dma_wait3A_176] : memref<4096xi32, #tpu.memory_space<vmem>> -> memref<256xi32, #tpu.memory_space<vmem>>
    %dma_wait3A_178 = arith.constant 0 : i32
    %dma_wait3A_179 = arith.constant 0 : i32
    %dma_wait3A_180 = tpu.memref_slice %arg2[%dma_wait3A_178, %dma_wait3A_179] : memref<16384x128xf32, #tpu.memory_space<hbm>> -> memref<16384x128xf32, #tpu.memory_space<hbm>>
    tpu.wait_indirect_dma semaphore(%arg9 : memref<!tpu.dma_semaphore, #tpu.memory_space<semaphore_mem>>) src(%dma_wait3A_180 : memref<16384x128xf32, #tpu.memory_space<hbm>>) dst(%arg8 : memref<256x128xf32, #tpu.memory_space<vmem>>)
    %add3A_181 = arith.constant 2048 : i32
    %add3A_182 = arith.addi %mul3A_2, %add3A_181 : i32
    %dma_start3A_183 = arith.constant 0 : i32
    %dma_start3A_184 = tpu.memref_slice %arg4[%add3A_182, %dma_start3A_183] : memref<131072x128xf32, #tpu.memory_space<hbm>> -> memref<256x128xf32, #tpu.memory_space<hbm>>
    %dma_start3A_185 = arith.constant 0 : i32
    %dma_start3A_186 = tpu.memref_slice %arg4[%add3A_182, %dma_start3A_185] : memref<131072x128xf32, #tpu.memory_space<hbm>> -> memref<256x128xf32, #tpu.memory_space<hbm>>
    tpu.enqueue_dma source(%arg8 : memref<256x128xf32, #tpu.memory_space<vmem>>) target(%dma_start3A_186 : memref<256x128xf32, #tpu.memory_space<hbm>>) target_semaphore(%arg10 : memref<!tpu.dma_semaphore, #tpu.memory_space<semaphore_mem>>)
    %dma_wait3A_187 = arith.constant 0 : i32
    %dma_wait3A_188 = tpu.memref_slice %arg4[%add3A_182, %dma_wait3A_187] : memref<131072x128xf32, #tpu.memory_space<hbm>> -> memref<256x128xf32, #tpu.memory_space<hbm>>
    %dma_wait3A_189 = arith.constant 0 : i32
    %dma_wait3A_190 = tpu.memref_slice %arg4[%add3A_182, %dma_wait3A_189] : memref<131072x128xf32, #tpu.memory_space<hbm>> -> memref<256x128xf32, #tpu.memory_space<hbm>>
    tpu.wait_dma2 semaphore(%arg10 : memref<!tpu.dma_semaphore, #tpu.memory_space<semaphore_mem>>) src(%arg8 : memref<256x128xf32, #tpu.memory_space<vmem>>) dst(%dma_wait3A_190 : memref<256x128xf32, #tpu.memory_space<hbm>>)
    %dma_start3A_191 = arith.constant 2816 : i32
    %dma_start3A_192 = tpu.memref_slice %arg5[%dma_start3A_191] : memref<4096xi32, #tpu.memory_space<vmem>> -> memref<256xi32, #tpu.memory_space<vmem>>
    %dma_start3A_193 = arith.constant 0 : i32
    %dma_start3A_194 = arith.constant 0 : i32
    %dma_start3A_195 = tpu.memref_slice %arg2[%dma_start3A_193, %dma_start3A_194] : memref<16384x128xf32, #tpu.memory_space<hbm>> -> memref<16384x128xf32, #tpu.memory_space<hbm>>
    tpu.enqueue_indirect_dma source(%dma_start3A_195 : memref<16384x128xf32, #tpu.memory_space<hbm>>) target(%arg8 : memref<256x128xf32, #tpu.memory_space<vmem>>) offsets(%dma_start3A_192 : memref<256xi32, #tpu.memory_space<vmem>>) semaphore(%arg9 : memref<!tpu.dma_semaphore, #tpu.memory_space<semaphore_mem>>)
    %dma_wait3A_196 = arith.constant 2304 : i32
    %dma_wait3A_197 = tpu.memref_slice %arg5[%dma_wait3A_196] : memref<4096xi32, #tpu.memory_space<vmem>> -> memref<256xi32, #tpu.memory_space<vmem>>
    %dma_wait3A_198 = arith.constant 0 : i32
    %dma_wait3A_199 = arith.constant 0 : i32
    %dma_wait3A_200 = tpu.memref_slice %arg2[%dma_wait3A_198, %dma_wait3A_199] : memref<16384x128xf32, #tpu.memory_space<hbm>> -> memref<16384x128xf32, #tpu.memory_space<hbm>>
    tpu.wait_indirect_dma semaphore(%arg9 : memref<!tpu.dma_semaphore, #tpu.memory_space<semaphore_mem>>) src(%dma_wait3A_200 : memref<16384x128xf32, #tpu.memory_space<hbm>>) dst(%arg6 : memref<256x128xf32, #tpu.memory_space<vmem>>)
    %add3A_201 = arith.constant 2304 : i32
    %add3A_202 = arith.addi %mul3A_2, %add3A_201 : i32
    %dma_start3A_203 = arith.constant 0 : i32
    %dma_start3A_204 = tpu.memref_slice %arg4[%add3A_202, %dma_start3A_203] : memref<131072x128xf32, #tpu.memory_space<hbm>> -> memref<256x128xf32, #tpu.memory_space<hbm>>
    %dma_start3A_205 = arith.constant 0 : i32
    %dma_start3A_206 = tpu.memref_slice %arg4[%add3A_202, %dma_start3A_205] : memref<131072x128xf32, #tpu.memory_space<hbm>> -> memref<256x128xf32, #tpu.memory_space<hbm>>
    tpu.enqueue_dma source(%arg6 : memref<256x128xf32, #tpu.memory_space<vmem>>) target(%dma_start3A_206 : memref<256x128xf32, #tpu.memory_space<hbm>>) target_semaphore(%arg10 : memref<!tpu.dma_semaphore, #tpu.memory_space<semaphore_mem>>)
    %dma_wait3A_207 = arith.constant 0 : i32
    %dma_wait3A_208 = tpu.memref_slice %arg4[%add3A_202, %dma_wait3A_207] : memref<131072x128xf32, #tpu.memory_space<hbm>> -> memref<256x128xf32, #tpu.memory_space<hbm>>
    %dma_wait3A_209 = arith.constant 0 : i32
    %dma_wait3A_210 = tpu.memref_slice %arg4[%add3A_202, %dma_wait3A_209] : memref<131072x128xf32, #tpu.memory_space<hbm>> -> memref<256x128xf32, #tpu.memory_space<hbm>>
    tpu.wait_dma2 semaphore(%arg10 : memref<!tpu.dma_semaphore, #tpu.memory_space<semaphore_mem>>) src(%arg6 : memref<256x128xf32, #tpu.memory_space<vmem>>) dst(%dma_wait3A_210 : memref<256x128xf32, #tpu.memory_space<hbm>>)
    %dma_start3A_211 = arith.constant 3072 : i32
    %dma_start3A_212 = tpu.memref_slice %arg5[%dma_start3A_211] : memref<4096xi32, #tpu.memory_space<vmem>> -> memref<256xi32, #tpu.memory_space<vmem>>
    %dma_start3A_213 = arith.constant 0 : i32
    %dma_start3A_214 = arith.constant 0 : i32
    %dma_start3A_215 = tpu.memref_slice %arg2[%dma_start3A_213, %dma_start3A_214] : memref<16384x128xf32, #tpu.memory_space<hbm>> -> memref<16384x128xf32, #tpu.memory_space<hbm>>
    tpu.enqueue_indirect_dma source(%dma_start3A_215 : memref<16384x128xf32, #tpu.memory_space<hbm>>) target(%arg6 : memref<256x128xf32, #tpu.memory_space<vmem>>) offsets(%dma_start3A_212 : memref<256xi32, #tpu.memory_space<vmem>>) semaphore(%arg9 : memref<!tpu.dma_semaphore, #tpu.memory_space<semaphore_mem>>)
    %dma_wait3A_216 = arith.constant 2560 : i32
    %dma_wait3A_217 = tpu.memref_slice %arg5[%dma_wait3A_216] : memref<4096xi32, #tpu.memory_space<vmem>> -> memref<256xi32, #tpu.memory_space<vmem>>
    %dma_wait3A_218 = arith.constant 0 : i32
    %dma_wait3A_219 = arith.constant 0 : i32
    %dma_wait3A_220 = tpu.memref_slice %arg2[%dma_wait3A_218, %dma_wait3A_219] : memref<16384x128xf32, #tpu.memory_space<hbm>> -> memref<16384x128xf32, #tpu.memory_space<hbm>>
    tpu.wait_indirect_dma semaphore(%arg9 : memref<!tpu.dma_semaphore, #tpu.memory_space<semaphore_mem>>) src(%dma_wait3A_220 : memref<16384x128xf32, #tpu.memory_space<hbm>>) dst(%arg7 : memref<256x128xf32, #tpu.memory_space<vmem>>)
    %add3A_221 = arith.constant 2560 : i32
    %add3A_222 = arith.addi %mul3A_2, %add3A_221 : i32
    %dma_start3A_223 = arith.constant 0 : i32
    %dma_start3A_224 = tpu.memref_slice %arg4[%add3A_222, %dma_start3A_223] : memref<131072x128xf32, #tpu.memory_space<hbm>> -> memref<256x128xf32, #tpu.memory_space<hbm>>
    %dma_start3A_225 = arith.constant 0 : i32
    %dma_start3A_226 = tpu.memref_slice %arg4[%add3A_222, %dma_start3A_225] : memref<131072x128xf32, #tpu.memory_space<hbm>> -> memref<256x128xf32, #tpu.memory_space<hbm>>
    tpu.enqueue_dma source(%arg7 : memref<256x128xf32, #tpu.memory_space<vmem>>) target(%dma_start3A_226 : memref<256x128xf32, #tpu.memory_space<hbm>>) target_semaphore(%arg10 : memref<!tpu.dma_semaphore, #tpu.memory_space<semaphore_mem>>)
    %dma_wait3A_227 = arith.constant 0 : i32
    %dma_wait3A_228 = tpu.memref_slice %arg4[%add3A_222, %dma_wait3A_227] : memref<131072x128xf32, #tpu.memory_space<hbm>> -> memref<256x128xf32, #tpu.memory_space<hbm>>
    %dma_wait3A_229 = arith.constant 0 : i32
    %dma_wait3A_230 = tpu.memref_slice %arg4[%add3A_222, %dma_wait3A_229] : memref<131072x128xf32, #tpu.memory_space<hbm>> -> memref<256x128xf32, #tpu.memory_space<hbm>>
    tpu.wait_dma2 semaphore(%arg10 : memref<!tpu.dma_semaphore, #tpu.memory_space<semaphore_mem>>) src(%arg7 : memref<256x128xf32, #tpu.memory_space<vmem>>) dst(%dma_wait3A_230 : memref<256x128xf32, #tpu.memory_space<hbm>>)
    %dma_start3A_231 = arith.constant 3328 : i32
    %dma_start3A_232 = tpu.memref_slice %arg5[%dma_start3A_231] : memref<4096xi32, #tpu.memory_space<vmem>> -> memref<256xi32, #tpu.memory_space<vmem>>
    %dma_start3A_233 = arith.constant 0 : i32
    %dma_start3A_234 = arith.constant 0 : i32
    %dma_start3A_235 = tpu.memref_slice %arg2[%dma_start3A_233, %dma_start3A_234] : memref<16384x128xf32, #tpu.memory_space<hbm>> -> memref<16384x128xf32, #tpu.memory_space<hbm>>
    tpu.enqueue_indirect_dma source(%dma_start3A_235 : memref<16384x128xf32, #tpu.memory_space<hbm>>) target(%arg7 : memref<256x128xf32, #tpu.memory_space<vmem>>) offsets(%dma_start3A_232 : memref<256xi32, #tpu.memory_space<vmem>>) semaphore(%arg9 : memref<!tpu.dma_semaphore, #tpu.memory_space<semaphore_mem>>)
    %dma_wait3A_236 = arith.constant 2816 : i32
    %dma_wait3A_237 = tpu.memref_slice %arg5[%dma_wait3A_236] : memref<4096xi32, #tpu.memory_space<vmem>> -> memref<256xi32, #tpu.memory_space<vmem>>
    %dma_wait3A_238 = arith.constant 0 : i32
    %dma_wait3A_239 = arith.constant 0 : i32
    %dma_wait3A_240 = tpu.memref_slice %arg2[%dma_wait3A_238, %dma_wait3A_239] : memref<16384x128xf32, #tpu.memory_space<hbm>> -> memref<16384x128xf32, #tpu.memory_space<hbm>>
    tpu.wait_indirect_dma semaphore(%arg9 : memref<!tpu.dma_semaphore, #tpu.memory_space<semaphore_mem>>) src(%dma_wait3A_240 : memref<16384x128xf32, #tpu.memory_space<hbm>>) dst(%arg8 : memref<256x128xf32, #tpu.memory_space<vmem>>)
    %add3A_241 = arith.constant 2816 : i32
    %add3A_242 = arith.addi %mul3A_2, %add3A_241 : i32
    %dma_start3A_243 = arith.constant 0 : i32
    %dma_start3A_244 = tpu.memref_slice %arg4[%add3A_242, %dma_start3A_243] : memref<131072x128xf32, #tpu.memory_space<hbm>> -> memref<256x128xf32, #tpu.memory_space<hbm>>
    %dma_start3A_245 = arith.constant 0 : i32
    %dma_start3A_246 = tpu.memref_slice %arg4[%add3A_242, %dma_start3A_245] : memref<131072x128xf32, #tpu.memory_space<hbm>> -> memref<256x128xf32, #tpu.memory_space<hbm>>
    tpu.enqueue_dma source(%arg8 : memref<256x128xf32, #tpu.memory_space<vmem>>) target(%dma_start3A_246 : memref<256x128xf32, #tpu.memory_space<hbm>>) target_semaphore(%arg10 : memref<!tpu.dma_semaphore, #tpu.memory_space<semaphore_mem>>)
    %dma_wait3A_247 = arith.constant 0 : i32
    %dma_wait3A_248 = tpu.memref_slice %arg4[%add3A_242, %dma_wait3A_247] : memref<131072x128xf32, #tpu.memory_space<hbm>> -> memref<256x128xf32, #tpu.memory_space<hbm>>
    %dma_wait3A_249 = arith.constant 0 : i32
    %dma_wait3A_250 = tpu.memref_slice %arg4[%add3A_242, %dma_wait3A_249] : memref<131072x128xf32, #tpu.memory_space<hbm>> -> memref<256x128xf32, #tpu.memory_space<hbm>>
    tpu.wait_dma2 semaphore(%arg10 : memref<!tpu.dma_semaphore, #tpu.memory_space<semaphore_mem>>) src(%arg8 : memref<256x128xf32, #tpu.memory_space<vmem>>) dst(%dma_wait3A_250 : memref<256x128xf32, #tpu.memory_space<hbm>>)
    %dma_start3A_251 = arith.constant 3584 : i32
    %dma_start3A_252 = tpu.memref_slice %arg5[%dma_start3A_251] : memref<4096xi32, #tpu.memory_space<vmem>> -> memref<256xi32, #tpu.memory_space<vmem>>
    %dma_start3A_253 = arith.constant 0 : i32
    %dma_start3A_254 = arith.constant 0 : i32
    %dma_start3A_255 = tpu.memref_slice %arg2[%dma_start3A_253, %dma_start3A_254] : memref<16384x128xf32, #tpu.memory_space<hbm>> -> memref<16384x128xf32, #tpu.memory_space<hbm>>
    tpu.enqueue_indirect_dma source(%dma_start3A_255 : memref<16384x128xf32, #tpu.memory_space<hbm>>) target(%arg8 : memref<256x128xf32, #tpu.memory_space<vmem>>) offsets(%dma_start3A_252 : memref<256xi32, #tpu.memory_space<vmem>>) semaphore(%arg9 : memref<!tpu.dma_semaphore, #tpu.memory_space<semaphore_mem>>)
    %dma_wait3A_256 = arith.constant 3072 : i32
    %dma_wait3A_257 = tpu.memref_slice %arg5[%dma_wait3A_256] : memref<4096xi32, #tpu.memory_space<vmem>> -> memref<256xi32, #tpu.memory_space<vmem>>
    %dma_wait3A_258 = arith.constant 0 : i32
    %dma_wait3A_259 = arith.constant 0 : i32
    %dma_wait3A_260 = tpu.memref_slice %arg2[%dma_wait3A_258, %dma_wait3A_259] : memref<16384x128xf32, #tpu.memory_space<hbm>> -> memref<16384x128xf32, #tpu.memory_space<hbm>>
    tpu.wait_indirect_dma semaphore(%arg9 : memref<!tpu.dma_semaphore, #tpu.memory_space<semaphore_mem>>) src(%dma_wait3A_260 : memref<16384x128xf32, #tpu.memory_space<hbm>>) dst(%arg6 : memref<256x128xf32, #tpu.memory_space<vmem>>)
    %add3A_261 = arith.constant 3072 : i32
    %add3A_262 = arith.addi %mul3A_2, %add3A_261 : i32
    %dma_start3A_263 = arith.constant 0 : i32
    %dma_start3A_264 = tpu.memref_slice %arg4[%add3A_262, %dma_start3A_263] : memref<131072x128xf32, #tpu.memory_space<hbm>> -> memref<256x128xf32, #tpu.memory_space<hbm>>
    %dma_start3A_265 = arith.constant 0 : i32
    %dma_start3A_266 = tpu.memref_slice %arg4[%add3A_262, %dma_start3A_265] : memref<131072x128xf32, #tpu.memory_space<hbm>> -> memref<256x128xf32, #tpu.memory_space<hbm>>
    tpu.enqueue_dma source(%arg6 : memref<256x128xf32, #tpu.memory_space<vmem>>) target(%dma_start3A_266 : memref<256x128xf32, #tpu.memory_space<hbm>>) target_semaphore(%arg10 : memref<!tpu.dma_semaphore, #tpu.memory_space<semaphore_mem>>)
    %dma_wait3A_267 = arith.constant 0 : i32
    %dma_wait3A_268 = tpu.memref_slice %arg4[%add3A_262, %dma_wait3A_267] : memref<131072x128xf32, #tpu.memory_space<hbm>> -> memref<256x128xf32, #tpu.memory_space<hbm>>
    %dma_wait3A_269 = arith.constant 0 : i32
    %dma_wait3A_270 = tpu.memref_slice %arg4[%add3A_262, %dma_wait3A_269] : memref<131072x128xf32, #tpu.memory_space<hbm>> -> memref<256x128xf32, #tpu.memory_space<hbm>>
    tpu.wait_dma2 semaphore(%arg10 : memref<!tpu.dma_semaphore, #tpu.memory_space<semaphore_mem>>) src(%arg6 : memref<256x128xf32, #tpu.memory_space<vmem>>) dst(%dma_wait3A_270 : memref<256x128xf32, #tpu.memory_space<hbm>>)
    %dma_start3A_271 = arith.constant 3840 : i32
    %dma_start3A_272 = tpu.memref_slice %arg5[%dma_start3A_271] : memref<4096xi32, #tpu.memory_space<vmem>> -> memref<256xi32, #tpu.memory_space<vmem>>
    %dma_start3A_273 = arith.constant 0 : i32
    %dma_start3A_274 = arith.constant 0 : i32
    %dma_start3A_275 = tpu.memref_slice %arg2[%dma_start3A_273, %dma_start3A_274] : memref<16384x128xf32, #tpu.memory_space<hbm>> -> memref<16384x128xf32, #tpu.memory_space<hbm>>
    tpu.enqueue_indirect_dma source(%dma_start3A_275 : memref<16384x128xf32, #tpu.memory_space<hbm>>) target(%arg6 : memref<256x128xf32, #tpu.memory_space<vmem>>) offsets(%dma_start3A_272 : memref<256xi32, #tpu.memory_space<vmem>>) semaphore(%arg9 : memref<!tpu.dma_semaphore, #tpu.memory_space<semaphore_mem>>)
    %dma_wait3A_276 = arith.constant 3328 : i32
    %dma_wait3A_277 = tpu.memref_slice %arg5[%dma_wait3A_276] : memref<4096xi32, #tpu.memory_space<vmem>> -> memref<256xi32, #tpu.memory_space<vmem>>
    %dma_wait3A_278 = arith.constant 0 : i32
    %dma_wait3A_279 = arith.constant 0 : i32
    %dma_wait3A_280 = tpu.memref_slice %arg2[%dma_wait3A_278, %dma_wait3A_279] : memref<16384x128xf32, #tpu.memory_space<hbm>> -> memref<16384x128xf32, #tpu.memory_space<hbm>>
    tpu.wait_indirect_dma semaphore(%arg9 : memref<!tpu.dma_semaphore, #tpu.memory_space<semaphore_mem>>) src(%dma_wait3A_280 : memref<16384x128xf32, #tpu.memory_space<hbm>>) dst(%arg7 : memref<256x128xf32, #tpu.memory_space<vmem>>)
    %add3A_281 = arith.constant 3328 : i32
    %add3A_282 = arith.addi %mul3A_2, %add3A_281 : i32
    %dma_start3A_283 = arith.constant 0 : i32
    %dma_start3A_284 = tpu.memref_slice %arg4[%add3A_282, %dma_start3A_283] : memref<131072x128xf32, #tpu.memory_space<hbm>> -> memref<256x128xf32, #tpu.memory_space<hbm>>
    %dma_start3A_285 = arith.constant 0 : i32
    %dma_start3A_286 = tpu.memref_slice %arg4[%add3A_282, %dma_start3A_285] : memref<131072x128xf32, #tpu.memory_space<hbm>> -> memref<256x128xf32, #tpu.memory_space<hbm>>
    tpu.enqueue_dma source(%arg7 : memref<256x128xf32, #tpu.memory_space<vmem>>) target(%dma_start3A_286 : memref<256x128xf32, #tpu.memory_space<hbm>>) target_semaphore(%arg10 : memref<!tpu.dma_semaphore, #tpu.memory_space<semaphore_mem>>)
    %dma_wait3A_287 = arith.constant 3584 : i32
    %dma_wait3A_288 = tpu.memref_slice %arg5[%dma_wait3A_287] : memref<4096xi32, #tpu.memory_space<vmem>> -> memref<256xi32, #tpu.memory_space<vmem>>
    %dma_wait3A_289 = arith.constant 0 : i32
    %dma_wait3A_290 = arith.constant 0 : i32
    %dma_wait3A_291 = tpu.memref_slice %arg2[%dma_wait3A_289, %dma_wait3A_290] : memref<16384x128xf32, #tpu.memory_space<hbm>> -> memref<16384x128xf32, #tpu.memory_space<hbm>>
    tpu.wait_indirect_dma semaphore(%arg9 : memref<!tpu.dma_semaphore, #tpu.memory_space<semaphore_mem>>) src(%dma_wait3A_291 : memref<16384x128xf32, #tpu.memory_space<hbm>>) dst(%arg8 : memref<256x128xf32, #tpu.memory_space<vmem>>)
    %add3A_292 = arith.constant 3584 : i32
    %add3A_293 = arith.addi %mul3A_2, %add3A_292 : i32
    %dma_start3A_294 = arith.constant 0 : i32
    %dma_start3A_295 = tpu.memref_slice %arg4[%add3A_293, %dma_start3A_294] : memref<131072x128xf32, #tpu.memory_space<hbm>> -> memref<256x128xf32, #tpu.memory_space<hbm>>
    %dma_start3A_296 = arith.constant 0 : i32
    %dma_start3A_297 = tpu.memref_slice %arg4[%add3A_293, %dma_start3A_296] : memref<131072x128xf32, #tpu.memory_space<hbm>> -> memref<256x128xf32, #tpu.memory_space<hbm>>
    tpu.enqueue_dma source(%arg8 : memref<256x128xf32, #tpu.memory_space<vmem>>) target(%dma_start3A_297 : memref<256x128xf32, #tpu.memory_space<hbm>>) target_semaphore(%arg10 : memref<!tpu.dma_semaphore, #tpu.memory_space<semaphore_mem>>)
    %dma_wait3A_298 = arith.constant 3840 : i32
    %dma_wait3A_299 = tpu.memref_slice %arg5[%dma_wait3A_298] : memref<4096xi32, #tpu.memory_space<vmem>> -> memref<256xi32, #tpu.memory_space<vmem>>
    %dma_wait3A_300 = arith.constant 0 : i32
    %dma_wait3A_301 = arith.constant 0 : i32
    %dma_wait3A_302 = tpu.memref_slice %arg2[%dma_wait3A_300, %dma_wait3A_301] : memref<16384x128xf32, #tpu.memory_space<hbm>> -> memref<16384x128xf32, #tpu.memory_space<hbm>>
    tpu.wait_indirect_dma semaphore(%arg9 : memref<!tpu.dma_semaphore, #tpu.memory_space<semaphore_mem>>) src(%dma_wait3A_302 : memref<16384x128xf32, #tpu.memory_space<hbm>>) dst(%arg6 : memref<256x128xf32, #tpu.memory_space<vmem>>)
    %add3A_303 = arith.constant 3840 : i32
    %add3A_304 = arith.addi %mul3A_2, %add3A_303 : i32
    %dma_start3A_305 = arith.constant 0 : i32
    %dma_start3A_306 = tpu.memref_slice %arg4[%add3A_304, %dma_start3A_305] : memref<131072x128xf32, #tpu.memory_space<hbm>> -> memref<256x128xf32, #tpu.memory_space<hbm>>
    %dma_start3A_307 = arith.constant 0 : i32
    %dma_start3A_308 = tpu.memref_slice %arg4[%add3A_304, %dma_start3A_307] : memref<131072x128xf32, #tpu.memory_space<hbm>> -> memref<256x128xf32, #tpu.memory_space<hbm>>
    tpu.enqueue_dma source(%arg6 : memref<256x128xf32, #tpu.memory_space<vmem>>) target(%dma_start3A_308 : memref<256x128xf32, #tpu.memory_space<hbm>>) target_semaphore(%arg10 : memref<!tpu.dma_semaphore, #tpu.memory_space<semaphore_mem>>)
    %dma_wait3A_309 = arith.constant 0 : i32
    %dma_wait3A_310 = tpu.memref_slice %arg4[%add3A_282, %dma_wait3A_309] : memref<131072x128xf32, #tpu.memory_space<hbm>> -> memref<256x128xf32, #tpu.memory_space<hbm>>
    %dma_wait3A_311 = arith.constant 0 : i32
    %dma_wait3A_312 = tpu.memref_slice %arg4[%add3A_282, %dma_wait3A_311] : memref<131072x128xf32, #tpu.memory_space<hbm>> -> memref<256x128xf32, #tpu.memory_space<hbm>>
    tpu.wait_dma2 semaphore(%arg10 : memref<!tpu.dma_semaphore, #tpu.memory_space<semaphore_mem>>) src(%arg7 : memref<256x128xf32, #tpu.memory_space<vmem>>) dst(%dma_wait3A_312 : memref<256x128xf32, #tpu.memory_space<hbm>>)
    %dma_wait3A_313 = arith.constant 0 : i32
    %dma_wait3A_314 = tpu.memref_slice %arg4[%add3A_293, %dma_wait3A_313] : memref<131072x128xf32, #tpu.memory_space<hbm>> -> memref<256x128xf32, #tpu.memory_space<hbm>>
    %dma_wait3A_315 = arith.constant 0 : i32
    %dma_wait3A_316 = tpu.memref_slice %arg4[%add3A_293, %dma_wait3A_315] : memref<131072x128xf32, #tpu.memory_space<hbm>> -> memref<256x128xf32, #tpu.memory_space<hbm>>
    tpu.wait_dma2 semaphore(%arg10 : memref<!tpu.dma_semaphore, #tpu.memory_space<semaphore_mem>>) src(%arg8 : memref<256x128xf32, #tpu.memory_space<vmem>>) dst(%dma_wait3A_316 : memref<256x128xf32, #tpu.memory_space<hbm>>)
    %dma_wait3A_317 = arith.constant 0 : i32
    %dma_wait3A_318 = tpu.memref_slice %arg4[%add3A_304, %dma_wait3A_317] : memref<131072x128xf32, #tpu.memory_space<hbm>> -> memref<256x128xf32, #tpu.memory_space<hbm>>
    %dma_wait3A_319 = arith.constant 0 : i32
    %dma_wait3A_320 = tpu.memref_slice %arg4[%add3A_304, %dma_wait3A_319] : memref<131072x128xf32, #tpu.memory_space<hbm>> -> memref<256x128xf32, #tpu.memory_space<hbm>>
    tpu.wait_dma2 semaphore(%arg10 : memref<!tpu.dma_semaphore, #tpu.memory_space<semaphore_mem>>) src(%arg6 : memref<256x128xf32, #tpu.memory_space<vmem>>) dst(%dma_wait3A_320 : memref<256x128xf32, #tpu.memory_space<hbm>>)
    return
  }
}

module attributes {stable_mosaic.version = 14 : i64} {
  func.func @_stage1_body(%arg0: i32, %arg1: memref<256x256xf32, #tpu.memory_space<vmem>>, %arg2: memref<512x256xf32, #tpu.memory_space<vmem>>, %arg3: memref<1x256xf32, #tpu.memory_space<vmem>>, %arg4: memref<1x256xf32, #tpu.memory_space<vmem>>, %arg5: memref<1x256xf32, #tpu.memory_space<vmem>>, %arg6: memref<256x256xf32, #tpu.memory_space<vmem>>, %arg7: memref<256x1xf32, #tpu.memory_space<vmem>>, %arg8: memref<256x256xf32, #tpu.memory_space<vmem>>, %arg9: memref<2x256x128xf32, #tpu.memory_space<vmem>>) attributes {dimension_semantics = [#tpu.dimension_semantics<arbitrary>], iteration_bounds = array<i64: 32>, scalar_prefetch = 0 : i64, scratch_operands = 0 : i64, tpu.core_type = #tpu.core_type<tc>, window_params = [{transform_indices = @transform_0, window_bounds = array<i64: 256, 256>}, {pipeline_mode = #tpu.pipeline_mode<synchronous>, transform_indices = @transform_1, window_bounds = array<i64: 512, 256>}, {pipeline_mode = #tpu.pipeline_mode<synchronous>, transform_indices = @transform_2, window_bounds = array<i64: 1, 256>}, {pipeline_mode = #tpu.pipeline_mode<synchronous>, transform_indices = @transform_3, window_bounds = array<i64: 1, 256>}, {pipeline_mode = #tpu.pipeline_mode<synchronous>, transform_indices = @transform_4, window_bounds = array<i64: 1, 256>}, {transform_indices = @transform_5, window_bounds = array<i64: 256, 256>}, {transform_indices = @transform_6, window_bounds = array<i64: 256, 1>}, {transform_indices = @transform_7, window_bounds = array<i64: 256, 256>}, {transform_indices = @transform_8, window_bounds = array<i64: 2, 256, 128>}]} {
    %get3A = arith.constant 0 : index
    %get3A_0 = arith.constant 0 : index
    %get3A_1 = vector.load %arg1[%get3A, %get3A_0] : memref<256x256xf32, #tpu.memory_space<vmem>>, vector<256x256xf32>
    %mul3A = arith.mulf %get3A_1, %get3A_1 : vector<256x256xf32>
    %reduce_sum3A = arith.constant dense<0.000000e+00> : vector<256xf32>
    %reduce_sum3A_2 = vector.multi_reduction <add>, %mul3A, %reduce_sum3A [1] : vector<256x256xf32> to vector<256xf32>
    %broadcast_in_dim3A = vector.shape_cast %reduce_sum3A_2 : vector<256xf32> to vector<256x1xf32>
    %sqrt3A = math.sqrt %broadcast_in_dim3A : vector<256x1xf32>
    %add3A = arith.constant 9.99999996E-13 : f32
    %add3A_3 = vector.broadcast %add3A : f32 to vector<256x1xf32>
    %add3A_4 = arith.addf %sqrt3A, %add3A_3 : vector<256x1xf32>
    %div3A = vector.broadcast %add3A_4 : vector<256x1xf32> to vector<256x256xf32>
    %div3A_5 = arith.divf %get3A_1, %div3A : vector<256x256xf32>
    %swap3A = arith.constant 0 : index
    %swap3A_6 = arith.constant 0 : index
    %swap3A_7 = vector.load %arg6[%swap3A, %swap3A_6] : memref<256x256xf32, #tpu.memory_space<vmem>>, vector<256x256xf32>
    tpu.vector_store %arg6[%swap3A, %swap3A_6], %div3A_5 {strides = array<i32>} : memref<256x256xf32, #tpu.memory_space<vmem>>, vector<256x256xf32>,
    %mul3A_8 = arith.mulf %div3A_5, %div3A_5 : vector<256x256xf32>
    %reduce_sum3A_9 = arith.constant dense<0.000000e+00> : vector<256xf32>
    %reduce_sum3A_10 = vector.multi_reduction <add>, %mul3A_8, %reduce_sum3A_9 [1] : vector<256x256xf32> to vector<256xf32>
    %broadcast_in_dim3A_11 = vector.shape_cast %reduce_sum3A_10 : vector<256xf32> to vector<256x1xf32>
    %swap3A_12 = arith.constant 0 : index
    %swap3A_13 = arith.constant 0 : index
    %swap3A_14 = vector.load %arg7[%swap3A_12, %swap3A_13] : memref<256x1xf32, #tpu.memory_space<vmem>>, vector<256x1xf32>
    tpu.vector_store %arg7[%swap3A_12, %swap3A_13], %broadcast_in_dim3A_11 {strides = array<i32>} : memref<256x1xf32, #tpu.memory_space<vmem>>, vector<256x1xf32>,
    %get3A_15 = arith.constant 0 : index
    %get3A_16 = arith.constant 0 : index
    %get3A_17 = vector.load %arg2[%get3A_15, %get3A_16] : memref<512x256xf32, #tpu.memory_space<vmem>>, vector<256x256xf32>
    %get3A_18 = arith.constant 256 : index
    %get3A_19 = arith.constant 0 : index
    %get3A_20 = vector.load %arg2[%get3A_18, %get3A_19] : memref<512x256xf32, #tpu.memory_space<vmem>>, vector<256x256xf32>
    %get3A_21 = arith.constant 0 : index
    %get3A_22 = arith.constant 0 : index
    %get3A_23 = vector.load %arg4[%get3A_21, %get3A_22] : memref<1x256xf32, #tpu.memory_space<vmem>>, vector<1x256xf32>
    %sub3A = arith.subf %get3A_17, %get3A_20 : vector<256x256xf32>
    %dot_general3A = arith.constant dense<0.000000e+00> : vector<256x256xf32>
    %dot_general3A_24 = tpu.matmul %div3A_5, %sub3A, %dot_general3A {dimension_numbers = #tpu.dot_dimension_numbers<[1], [0], [0], [1], [0, 0, 1, 1], [], []>, transpose_lhs_hint = false} : vector<256x256xf32>, vector<256x256xf32>, vector<256x256xf32> -> vector<256x256xf32>
    %get3A_25 = arith.constant 0 : index
    %get3A_26 = arith.constant 0 : index
    %get3A_27 = vector.load %arg3[%get3A_25, %get3A_26] : memref<1x256xf32, #tpu.memory_space<vmem>>, vector<1x256xf32>
    %add3A_28 = vector.broadcast %get3A_27 : vector<1x256xf32> to vector<256x256xf32>
    %add3A_29 = arith.addf %dot_general3A_24, %add3A_28 : vector<256x256xf32>
    %mul3A_30 = vector.broadcast %get3A_23 : vector<1x256xf32> to vector<256x256xf32>
    %mul3A_31 = arith.mulf %add3A_29, %mul3A_30 : vector<256x256xf32>
    %get3A_32 = arith.constant 0 : index
    %get3A_33 = arith.constant 0 : index
    %get3A_34 = vector.load %arg5[%get3A_32, %get3A_33] : memref<1x256xf32, #tpu.memory_space<vmem>>, vector<1x256xf32>
    %add3A_35 = vector.broadcast %get3A_34 : vector<1x256xf32> to vector<256x256xf32>
    %add3A_36 = arith.addf %mul3A_31, %add3A_35 : vector<256x256xf32>
    %swap3A_37 = arith.constant 0 : index
    %swap3A_38 = arith.constant 0 : index
    %swap3A_39 = vector.load %arg8[%swap3A_37, %swap3A_38] : memref<256x256xf32, #tpu.memory_space<vmem>>, vector<256x256xf32>
    tpu.vector_store %arg8[%swap3A_37, %swap3A_38], %add3A_36 {strides = array<i32>} : memref<256x256xf32, #tpu.memory_space<vmem>>, vector<256x256xf32>,
    %dot_general3A_40 = arith.constant dense<0.000000e+00> : vector<256x256xf32>
    %dot_general3A_41 = tpu.matmul %div3A_5, %get3A_20, %dot_general3A_40 {dimension_numbers = #tpu.dot_dimension_numbers<[1], [0], [0], [1], [0, 0, 1, 1], [], []>, transpose_lhs_hint = false} : vector<256x256xf32>, vector<256x256xf32>, vector<256x256xf32> -> vector<256x256xf32>
    %mul3A_42 = vector.broadcast %get3A_23 : vector<1x256xf32> to vector<256x256xf32>
    %mul3A_43 = arith.mulf %dot_general3A_41, %mul3A_42 : vector<256x256xf32>
    %slice3A = vector.extract_strided_slice %mul3A_43 {offsets = [0, 0], sizes = [256, 128], strides = [1, 1]} : vector<256x256xf32> to vector<256x128xf32>
    %swap3A_44 = arith.constant 0 : index
    %swap3A_45 = arith.constant 0 : index
    %swap3A_46 = arith.constant 0 : index
    %swap3A_47 = vector.load %arg9[%swap3A_44, %swap3A_45, %swap3A_46] : memref<2x256x128xf32, #tpu.memory_space<vmem>>, vector<1x256x128xf32>
    %swap3A_48 = vector.shape_cast %swap3A_47 : vector<1x256x128xf32> to vector<256x128xf32>
    %swap3A_49 = vector.shape_cast %slice3A : vector<256x128xf32> to vector<1x256x128xf32>
    tpu.vector_store %arg9[%swap3A_44, %swap3A_45, %swap3A_46], %swap3A_49 {strides = array<i32>} : memref<2x256x128xf32, #tpu.memory_space<vmem>>, vector<1x256x128xf32>,
    %slice3A_50 = vector.extract_strided_slice %mul3A_43 {offsets = [0, 128], sizes = [256, 128], strides = [1, 1]} : vector<256x256xf32> to vector<256x128xf32>
    %swap3A_51 = arith.constant 1 : index
    %swap3A_52 = arith.constant 0 : index
    %swap3A_53 = arith.constant 0 : index
    %swap3A_54 = vector.load %arg9[%swap3A_51, %swap3A_52, %swap3A_53] : memref<2x256x128xf32, #tpu.memory_space<vmem>>, vector<1x256x128xf32>
    %swap3A_55 = vector.shape_cast %swap3A_54 : vector<1x256x128xf32> to vector<256x128xf32>
    %swap3A_56 = vector.shape_cast %slice3A_50 : vector<256x128xf32> to vector<1x256x128xf32>
    tpu.vector_store %arg9[%swap3A_51, %swap3A_52, %swap3A_53], %swap3A_56 {strides = array<i32>} : memref<2x256x128xf32, #tpu.memory_space<vmem>>, vector<1x256x128xf32>,
    return
  }
  func.func @transform_0(%arg0: i32) -> (i32, i32) {
    %c0_i32 = arith.constant 0 : i32
    %c0_i32_0 = arith.constant 0 : i32
    return %arg0, %c0_i32 : i32, i32
  }
  func.func @transform_1(%arg0: i32) -> (i32, i32) {
    %c0_i32 = arith.constant 0 : i32
    %c0_i32_0 = arith.constant 0 : i32
    %c0_i32_1 = arith.constant 0 : i32
    return %c0_i32, %c0_i32_0 : i32, i32
  }
  func.func @transform_2(%arg0: i32) -> (i32, i32) {
    %c0_i32 = arith.constant 0 : i32
    %c0_i32_0 = arith.constant 0 : i32
    %c0_i32_1 = arith.constant 0 : i32
    return %c0_i32, %c0_i32_0 : i32, i32
  }
  func.func @transform_3(%arg0: i32) -> (i32, i32) {
    %c0_i32 = arith.constant 0 : i32
    %c0_i32_0 = arith.constant 0 : i32
    %c0_i32_1 = arith.constant 0 : i32
    return %c0_i32, %c0_i32_0 : i32, i32
  }
  func.func @transform_4(%arg0: i32) -> (i32, i32) {
    %c0_i32 = arith.constant 0 : i32
    %c0_i32_0 = arith.constant 0 : i32
    %c0_i32_1 = arith.constant 0 : i32
    return %c0_i32, %c0_i32_0 : i32, i32
  }
  func.func @transform_5(%arg0: i32) -> (i32, i32) {
    %c0_i32 = arith.constant 0 : i32
    %c0_i32_0 = arith.constant 0 : i32
    return %arg0, %c0_i32 : i32, i32
  }
  func.func @transform_6(%arg0: i32) -> (i32, i32) {
    %c0_i32 = arith.constant 0 : i32
    %c0_i32_0 = arith.constant 0 : i32
    return %arg0, %c0_i32 : i32, i32
  }
  func.func @transform_7(%arg0: i32) -> (i32, i32) {
    %c0_i32 = arith.constant 0 : i32
    %c0_i32_0 = arith.constant 0 : i32
    return %arg0, %c0_i32 : i32, i32
  }
  func.func @transform_8(%arg0: i32) -> (i32, i32, i32) {
    %c0_i32 = arith.constant 0 : i32
    %c0_i32_0 = arith.constant 0 : i32
    %c0_i32_1 = arith.constant 0 : i32
    return %c0_i32, %arg0, %c0_i32_0 : i32, i32, i32
  }
}

module attributes {stable_mosaic.version = 14 : i64} {
  func.func @_knn_body(%arg0: memref<1x32xi32, #tpu.memory_space<smem>>, %arg1: memref<1x32xi32, #tpu.memory_space<smem>>, %arg2: memref<8192x256xf32, #tpu.memory_space<vmem>>, %arg3: memref<8192x1xf32, #tpu.memory_space<vmem>>, %arg4: memref<8192x1xi32, #tpu.memory_space<vmem>>, %arg5: memref<1x8192xf32, #tpu.memory_space<vmem>>, %arg6: memref<1x8192xi32, #tpu.memory_space<vmem>>, %arg7: memref<8x8192xi32, #tpu.memory_space<vmem>>) attributes {dimension_semantics = [], scalar_prefetch = 0 : i64, scratch_operands = 0 : i64, tpu.core_type = #tpu.core_type<tc>} {
    %scan3A = arith.constant 0 : i32
    %scan3A_0 = arith.constant 32 : i32
    %scan3A_1 = arith.addi %scan3A, %scan3A_0 : i32
    %scan3A_2 = arith.constant 1 : i32
    scf.for %scan3A_4 = %scan3A to %scan3A_1 step %scan3A_2  : i32 {
      %mul3A = arith.constant 256 : i32
      %mul3A_5 = arith.muli %scan3A_4, %mul3A : i32
      %get3A = arith.index_cast %mul3A_5 : i32 to index
      %get3A_6 = arith.constant 0 : index
      %get3A_7 = vector.load %arg2[%get3A, %get3A_6] : memref<8192x256xf32, #tpu.memory_space<vmem>>, vector<256x256xf32>
      %mul3A_8 = arith.constant 256 : i32
      %mul3A_9 = arith.muli %scan3A_4, %mul3A_8 : i32
      %get3A_10 = arith.constant 0 : index
      %get3A_11 = arith.index_cast %mul3A_9 : i32 to index
      %get3A_12 = vector.load %arg5[%get3A_10, %get3A_11] : memref<1x8192xf32, #tpu.memory_space<vmem>>, vector<1x256xf32>
      %mul3A_13 = arith.constant 256 : i32
      %mul3A_14 = arith.muli %scan3A_4, %mul3A_13 : i32
      %get3A_15 = arith.constant 0 : index
      %get3A_16 = arith.index_cast %mul3A_14 : i32 to index
      %get3A_17 = vector.load %arg6[%get3A_15, %get3A_16] : memref<1x8192xi32, #tpu.memory_space<vmem>>, vector<1x256xi32>
      %broadcast_in_dim3A = arith.constant 9.99999993E+36 : f32
      %broadcast_in_dim3A_18 = vector.broadcast %broadcast_in_dim3A : f32 to vector<8x256xf32>
      %iota3A = tpu.iota {dimensions = array<i32: 0>} : vector<8x256xi32>
      %get3A_19 = arith.constant 0 : index
      %get3A_20 = arith.index_cast %scan3A_4 : i32 to index
      %get3A_21 = memref.load %arg0[%get3A_19, %get3A_20] : memref<1x32xi32, #tpu.memory_space<smem>>
      %get3A_22 = arith.constant 0 : index
      %get3A_23 = arith.index_cast %scan3A_4 : i32 to index
      %get3A_24 = memref.load %arg1[%get3A_22, %get3A_23] : memref<1x32xi32, #tpu.memory_space<smem>>
      %add3A = arith.constant 1 : i32
      %add3A_25 = arith.addi %get3A_24, %add3A : i32
      %while3A = arith.subi %add3A_25, %get3A_21 : i32
      %while3A_26 = arith.addi %get3A_21, %while3A : i32
      %while3A_27 = arith.constant 1 : i32
      %while3A_28 = arith.divsi %while3A, %while3A_27 : i32
      %while3A_29 = arith.muli %while3A_28, %while3A_27 : i32
      %while3A_30 = arith.addi %get3A_21, %while3A_29 : i32
      %while3A_31 = arith.constant 1 : i32
      %while3A_32:2 = scf.for %while3A_39 = %get3A_21 to %while3A_30 step %while3A_31 iter_args(%while3A_40 = %broadcast_in_dim3A_18, %while3A_41 = %iota3A) -> (vector<8x256xf32>, vector<8x256xi32>)  : i32 {
        %mul3A_42 = arith.constant 256 : i32
        %mul3A_43 = arith.muli %while3A_39, %mul3A_42 : i32
        %get3A_44 = arith.index_cast %mul3A_43 : i32 to index
        %get3A_45 = arith.constant 0 : index
        %get3A_46 = vector.load %arg2[%get3A_44, %get3A_45] : memref<8192x256xf32, #tpu.memory_space<vmem>>, vector<256x256xf32>
        %dot_general3A = arith.constant dense<0.000000e+00> : vector<256x256xf32>
        %dot_general3A_47 = tpu.matmul %get3A_46, %get3A_7, %dot_general3A {dimension_numbers = #tpu.dot_dimension_numbers<[1], [1], [0], [0], [0, 0, 1, 0], [], []>, transpose_lhs_hint = false} : vector<256x256xf32>, vector<256x256xf32>, vector<256x256xf32> -> vector<256x256xf32>
        %mul3A_48 = arith.constant 256 : i32
        %mul3A_49 = arith.muli %while3A_39, %mul3A_48 : i32
        %get3A_50 = arith.index_cast %mul3A_49 : i32 to index
        %get3A_51 = arith.constant 0 : index
        %get3A_52 = vector.load %arg3[%get3A_50, %get3A_51] : memref<8192x1xf32, #tpu.memory_space<vmem>>, vector<256x1xf32>
        %add3A_53 = vector.broadcast %get3A_52 : vector<256x1xf32> to vector<256x256xf32>
        %add3A_54 = vector.broadcast %get3A_12 : vector<1x256xf32> to vector<256x256xf32>
        %add3A_55 = arith.addf %add3A_53, %add3A_54 : vector<256x256xf32>
        %mul3A_56 = arith.constant 2.000000e+00 : f32
        %mul3A_57 = vector.broadcast %mul3A_56 : f32 to vector<256x256xf32>
        %mul3A_58 = arith.mulf %mul3A_57, %dot_general3A_47 : vector<256x256xf32>
        %sub3A = arith.subf %add3A_55, %mul3A_58 : vector<256x256xf32>
        %mul3A_59 = arith.constant 256 : i32
        %mul3A_60 = arith.muli %while3A_39, %mul3A_59 : i32
        %get3A_61 = arith.index_cast %mul3A_60 : i32 to index
        %get3A_62 = arith.constant 0 : index
        %get3A_63 = vector.load %arg4[%get3A_61, %get3A_62] : memref<8192x1xi32, #tpu.memory_space<vmem>>, vector<256x1xi32>
        %ne3A = vector.broadcast %get3A_63 : vector<256x1xi32> to vector<256x256xi32>
        %ne3A_64 = vector.broadcast %get3A_17 : vector<1x256xi32> to vector<256x256xi32>
        %ne3A_65 = arith.cmpi ne, %ne3A, %ne3A_64 : vector<256x256xi32>
        %jit3A = arith.constant 9.99999993E+36 : f32
        %broadcast_in_dim3A_66 = vector.broadcast %jit3A : f32 to vector<256x256xf32>
        %select_n3A = arith.select %ne3A_65, %broadcast_in_dim3A_66, %sub3A : vector<256x256xi1>, vector<256x256xf32>
        %iota3A_67 = tpu.iota {dimensions = array<i32: 0>} : vector<256x256xi32>
        %mul3A_68 = arith.constant 256 : i32
        %mul3A_69 = arith.muli %while3A_39, %mul3A_68 : i32
        %add3A_70 = vector.broadcast %mul3A_69 : i32 to vector<256x256xi32>
        %add3A_71 = arith.addi %iota3A_67, %add3A_70 : vector<256x256xi32>
        %concatenate3A = tpu.concatenate %while3A_40, %select_n3A in 0 : vector<8x256xf32>, vector<256x256xf32> -> vector<264x256xf32>
        %concatenate3A_72 = tpu.concatenate %while3A_41, %add3A_71 in 0 : vector<8x256xi32>, vector<256x256xi32> -> vector<264x256xi32>
        %reduce_min3A = arith.constant dense<0x7F800000> : vector<256xf32>
        %reduce_min3A_73 = vector.multi_reduction <minimumf>, %concatenate3A, %reduce_min3A [0] : vector<264x256xf32> to vector<256xf32>
        %broadcast_in_dim3A_74 = vector.shape_cast %reduce_min3A_73 : vector<256xf32> to vector<1x256xf32>
        %eq3A = vector.broadcast %broadcast_in_dim3A_74 : vector<1x256xf32> to vector<264x256xf32>
        %eq3A_75 = arith.cmpf oeq, %concatenate3A, %eq3A : vector<264x256xf32>
        %jit3A_76 = arith.constant 2147483647 : i32
        %broadcast_in_dim3A_77 = vector.broadcast %jit3A_76 : i32 to vector<264x256xi32>
        %select_n3A_78 = arith.select %eq3A_75, %concatenate3A_72, %broadcast_in_dim3A_77 : vector<264x256xi1>, vector<264x256xi32>
        %reduce_min3A_79 = arith.constant dense<2147483647> : vector<256xi32>
        %reduce_min3A_80 = vector.multi_reduction <minsi>, %select_n3A_78, %reduce_min3A_79 [0] : vector<264x256xi32> to vector<256xi32>
        %broadcast_in_dim3A_81 = vector.shape_cast %reduce_min3A_80 : vector<256xi32> to vector<1x256xi32>
        %eq3A_82 = vector.broadcast %broadcast_in_dim3A_81 : vector<1x256xi32> to vector<264x256xi32>
        %eq3A_83 = arith.cmpi eq, %concatenate3A_72, %eq3A_82 : vector<264x256xi32>
        %jit3A_84 = arith.constant 3.000000e+38 : f32
        %broadcast_in_dim3A_85 = vector.broadcast %jit3A_84 : f32 to vector<264x256xf32>
        %select_n3A_86 = arith.select %eq3A_83, %broadcast_in_dim3A_85, %concatenate3A : vector<264x256xi1>, vector<264x256xf32>
        %reduce_min3A_87 = arith.constant dense<0x7F800000> : vector<256xf32>
        %reduce_min3A_88 = vector.multi_reduction <minimumf>, %select_n3A_86, %reduce_min3A_87 [0] : vector<264x256xf32> to vector<256xf32>
        %broadcast_in_dim3A_89 = vector.shape_cast %reduce_min3A_88 : vector<256xf32> to vector<1x256xf32>
        %eq3A_90 = vector.broadcast %broadcast_in_dim3A_89 : vector<1x256xf32> to vector<264x256xf32>
        %eq3A_91 = arith.cmpf oeq, %select_n3A_86, %eq3A_90 : vector<264x256xf32>
        %jit3A_92 = arith.constant 2147483647 : i32
        %broadcast_in_dim3A_93 = vector.broadcast %jit3A_92 : i32 to vector<264x256xi32>
        %select_n3A_94 = arith.select %eq3A_91, %concatenate3A_72, %broadcast_in_dim3A_93 : vector<264x256xi1>, vector<264x256xi32>
        %reduce_min3A_95 = arith.constant dense<2147483647> : vector<256xi32>
        %reduce_min3A_96 = vector.multi_reduction <minsi>, %select_n3A_94, %reduce_min3A_95 [0] : vector<264x256xi32> to vector<256xi32>
        %broadcast_in_dim3A_97 = vector.shape_cast %reduce_min3A_96 : vector<256xi32> to vector<1x256xi32>
        %eq3A_98 = vector.broadcast %broadcast_in_dim3A_97 : vector<1x256xi32> to vector<264x256xi32>
        %eq3A_99 = arith.cmpi eq, %concatenate3A_72, %eq3A_98 : vector<264x256xi32>
        %jit3A_100 = arith.constant 3.000000e+38 : f32
        %broadcast_in_dim3A_101 = vector.broadcast %jit3A_100 : f32 to vector<264x256xf32>
        %select_n3A_102 = arith.select %eq3A_99, %broadcast_in_dim3A_101, %select_n3A_86 : vector<264x256xi1>, vector<264x256xf32>
        %reduce_min3A_103 = arith.constant dense<0x7F800000> : vector<256xf32>
        %reduce_min3A_104 = vector.multi_reduction <minimumf>, %select_n3A_102, %reduce_min3A_103 [0] : vector<264x256xf32> to vector<256xf32>
        %broadcast_in_dim3A_105 = vector.shape_cast %reduce_min3A_104 : vector<256xf32> to vector<1x256xf32>
        %eq3A_106 = vector.broadcast %broadcast_in_dim3A_105 : vector<1x256xf32> to vector<264x256xf32>
        %eq3A_107 = arith.cmpf oeq, %select_n3A_102, %eq3A_106 : vector<264x256xf32>
        %jit3A_108 = arith.constant 2147483647 : i32
        %broadcast_in_dim3A_109 = vector.broadcast %jit3A_108 : i32 to vector<264x256xi32>
        %select_n3A_110 = arith.select %eq3A_107, %concatenate3A_72, %broadcast_in_dim3A_109 : vector<264x256xi1>, vector<264x256xi32>
        %reduce_min3A_111 = arith.constant dense<2147483647> : vector<256xi32>
        %reduce_min3A_112 = vector.multi_reduction <minsi>, %select_n3A_110, %reduce_min3A_111 [0] : vector<264x256xi32> to vector<256xi32>
        %broadcast_in_dim3A_113 = vector.shape_cast %reduce_min3A_112 : vector<256xi32> to vector<1x256xi32>
        %eq3A_114 = vector.broadcast %broadcast_in_dim3A_113 : vector<1x256xi32> to vector<264x256xi32>
        %eq3A_115 = arith.cmpi eq, %concatenate3A_72, %eq3A_114 : vector<264x256xi32>
        %jit3A_116 = arith.constant 3.000000e+38 : f32
        %broadcast_in_dim3A_117 = vector.broadcast %jit3A_116 : f32 to vector<264x256xf32>
        %select_n3A_118 = arith.select %eq3A_115, %broadcast_in_dim3A_117, %select_n3A_102 : vector<264x256xi1>, vector<264x256xf32>
        %reduce_min3A_119 = arith.constant dense<0x7F800000> : vector<256xf32>
        %reduce_min3A_120 = vector.multi_reduction <minimumf>, %select_n3A_118, %reduce_min3A_119 [0] : vector<264x256xf32> to vector<256xf32>
        %broadcast_in_dim3A_121 = vector.shape_cast %reduce_min3A_120 : vector<256xf32> to vector<1x256xf32>
        %eq3A_122 = vector.broadcast %broadcast_in_dim3A_121 : vector<1x256xf32> to vector<264x256xf32>
        %eq3A_123 = arith.cmpf oeq, %select_n3A_118, %eq3A_122 : vector<264x256xf32>
        %jit3A_124 = arith.constant 2147483647 : i32
        %broadcast_in_dim3A_125 = vector.broadcast %jit3A_124 : i32 to vector<264x256xi32>
        %select_n3A_126 = arith.select %eq3A_123, %concatenate3A_72, %broadcast_in_dim3A_125 : vector<264x256xi1>, vector<264x256xi32>
        %reduce_min3A_127 = arith.constant dense<2147483647> : vector<256xi32>
        %reduce_min3A_128 = vector.multi_reduction <minsi>, %select_n3A_126, %reduce_min3A_127 [0] : vector<264x256xi32> to vector<256xi32>
        %broadcast_in_dim3A_129 = vector.shape_cast %reduce_min3A_128 : vector<256xi32> to vector<1x256xi32>
        %eq3A_130 = vector.broadcast %broadcast_in_dim3A_129 : vector<1x256xi32> to vector<264x256xi32>
        %eq3A_131 = arith.cmpi eq, %concatenate3A_72, %eq3A_130 : vector<264x256xi32>
        %jit3A_132 = arith.constant 3.000000e+38 : f32
        %broadcast_in_dim3A_133 = vector.broadcast %jit3A_132 : f32 to vector<264x256xf32>
        %select_n3A_134 = arith.select %eq3A_131, %broadcast_in_dim3A_133, %select_n3A_118 : vector<264x256xi1>, vector<264x256xf32>
        %reduce_min3A_135 = arith.constant dense<0x7F800000> : vector<256xf32>
        %reduce_min3A_136 = vector.multi_reduction <minimumf>, %select_n3A_134, %reduce_min3A_135 [0] : vector<264x256xf32> to vector<256xf32>
        %broadcast_in_dim3A_137 = vector.shape_cast %reduce_min3A_136 : vector<256xf32> to vector<1x256xf32>
        %eq3A_138 = vector.broadcast %broadcast_in_dim3A_137 : vector<1x256xf32> to vector<264x256xf32>
        %eq3A_139 = arith.cmpf oeq, %select_n3A_134, %eq3A_138 : vector<264x256xf32>
        %jit3A_140 = arith.constant 2147483647 : i32
        %broadcast_in_dim3A_141 = vector.broadcast %jit3A_140 : i32 to vector<264x256xi32>
        %select_n3A_142 = arith.select %eq3A_139, %concatenate3A_72, %broadcast_in_dim3A_141 : vector<264x256xi1>, vector<264x256xi32>
        %reduce_min3A_143 = arith.constant dense<2147483647> : vector<256xi32>
        %reduce_min3A_144 = vector.multi_reduction <minsi>, %select_n3A_142, %reduce_min3A_143 [0] : vector<264x256xi32> to vector<256xi32>
        %broadcast_in_dim3A_145 = vector.shape_cast %reduce_min3A_144 : vector<256xi32> to vector<1x256xi32>
        %eq3A_146 = vector.broadcast %broadcast_in_dim3A_145 : vector<1x256xi32> to vector<264x256xi32>
        %eq3A_147 = arith.cmpi eq, %concatenate3A_72, %eq3A_146 : vector<264x256xi32>
        %jit3A_148 = arith.constant 3.000000e+38 : f32
        %broadcast_in_dim3A_149 = vector.broadcast %jit3A_148 : f32 to vector<264x256xf32>
        %select_n3A_150 = arith.select %eq3A_147, %broadcast_in_dim3A_149, %select_n3A_134 : vector<264x256xi1>, vector<264x256xf32>
        %reduce_min3A_151 = arith.constant dense<0x7F800000> : vector<256xf32>
        %reduce_min3A_152 = vector.multi_reduction <minimumf>, %select_n3A_150, %reduce_min3A_151 [0] : vector<264x256xf32> to vector<256xf32>
        %broadcast_in_dim3A_153 = vector.shape_cast %reduce_min3A_152 : vector<256xf32> to vector<1x256xf32>
        %eq3A_154 = vector.broadcast %broadcast_in_dim3A_153 : vector<1x256xf32> to vector<264x256xf32>
        %eq3A_155 = arith.cmpf oeq, %select_n3A_150, %eq3A_154 : vector<264x256xf32>
        %jit3A_156 = arith.constant 2147483647 : i32
        %broadcast_in_dim3A_157 = vector.broadcast %jit3A_156 : i32 to vector<264x256xi32>
        %select_n3A_158 = arith.select %eq3A_155, %concatenate3A_72, %broadcast_in_dim3A_157 : vector<264x256xi1>, vector<264x256xi32>
        %reduce_min3A_159 = arith.constant dense<2147483647> : vector<256xi32>
        %reduce_min3A_160 = vector.multi_reduction <minsi>, %select_n3A_158, %reduce_min3A_159 [0] : vector<264x256xi32> to vector<256xi32>
        %broadcast_in_dim3A_161 = vector.shape_cast %reduce_min3A_160 : vector<256xi32> to vector<1x256xi32>
        %eq3A_162 = vector.broadcast %broadcast_in_dim3A_161 : vector<1x256xi32> to vector<264x256xi32>
        %eq3A_163 = arith.cmpi eq, %concatenate3A_72, %eq3A_162 : vector<264x256xi32>
        %jit3A_164 = arith.constant 3.000000e+38 : f32
        %broadcast_in_dim3A_165 = vector.broadcast %jit3A_164 : f32 to vector<264x256xf32>
        %select_n3A_166 = arith.select %eq3A_163, %broadcast_in_dim3A_165, %select_n3A_150 : vector<264x256xi1>, vector<264x256xf32>
        %reduce_min3A_167 = arith.constant dense<0x7F800000> : vector<256xf32>
        %reduce_min3A_168 = vector.multi_reduction <minimumf>, %select_n3A_166, %reduce_min3A_167 [0] : vector<264x256xf32> to vector<256xf32>
        %broadcast_in_dim3A_169 = vector.shape_cast %reduce_min3A_168 : vector<256xf32> to vector<1x256xf32>
        %eq3A_170 = vector.broadcast %broadcast_in_dim3A_169 : vector<1x256xf32> to vector<264x256xf32>
        %eq3A_171 = arith.cmpf oeq, %select_n3A_166, %eq3A_170 : vector<264x256xf32>
        %jit3A_172 = arith.constant 2147483647 : i32
        %broadcast_in_dim3A_173 = vector.broadcast %jit3A_172 : i32 to vector<264x256xi32>
        %select_n3A_174 = arith.select %eq3A_171, %concatenate3A_72, %broadcast_in_dim3A_173 : vector<264x256xi1>, vector<264x256xi32>
        %reduce_min3A_175 = arith.constant dense<2147483647> : vector<256xi32>
        %reduce_min3A_176 = vector.multi_reduction <minsi>, %select_n3A_174, %reduce_min3A_175 [0] : vector<264x256xi32> to vector<256xi32>
        %broadcast_in_dim3A_177 = vector.shape_cast %reduce_min3A_176 : vector<256xi32> to vector<1x256xi32>
        %eq3A_178 = vector.broadcast %broadcast_in_dim3A_177 : vector<1x256xi32> to vector<264x256xi32>
        %eq3A_179 = arith.cmpi eq, %concatenate3A_72, %eq3A_178 : vector<264x256xi32>
        %jit3A_180 = arith.constant 3.000000e+38 : f32
        %broadcast_in_dim3A_181 = vector.broadcast %jit3A_180 : f32 to vector<264x256xf32>
        %select_n3A_182 = arith.select %eq3A_179, %broadcast_in_dim3A_181, %select_n3A_166 : vector<264x256xi1>, vector<264x256xf32>
        %reduce_min3A_183 = arith.constant dense<0x7F800000> : vector<256xf32>
        %reduce_min3A_184 = vector.multi_reduction <minimumf>, %select_n3A_182, %reduce_min3A_183 [0] : vector<264x256xf32> to vector<256xf32>
        %broadcast_in_dim3A_185 = vector.shape_cast %reduce_min3A_184 : vector<256xf32> to vector<1x256xf32>
        %eq3A_186 = vector.broadcast %broadcast_in_dim3A_185 : vector<1x256xf32> to vector<264x256xf32>
        %eq3A_187 = arith.cmpf oeq, %select_n3A_182, %eq3A_186 : vector<264x256xf32>
        %jit3A_188 = arith.constant 2147483647 : i32
        %broadcast_in_dim3A_189 = vector.broadcast %jit3A_188 : i32 to vector<264x256xi32>
        %select_n3A_190 = arith.select %eq3A_187, %concatenate3A_72, %broadcast_in_dim3A_189 : vector<264x256xi1>, vector<264x256xi32>
        %reduce_min3A_191 = arith.constant dense<2147483647> : vector<256xi32>
        %reduce_min3A_192 = vector.multi_reduction <minsi>, %select_n3A_190, %reduce_min3A_191 [0] : vector<264x256xi32> to vector<256xi32>
        %broadcast_in_dim3A_193 = vector.shape_cast %reduce_min3A_192 : vector<256xi32> to vector<1x256xi32>
        %concatenate3A_194 = tpu.concatenate %broadcast_in_dim3A_74, %broadcast_in_dim3A_89, %broadcast_in_dim3A_105, %broadcast_in_dim3A_121, %broadcast_in_dim3A_137, %broadcast_in_dim3A_153, %broadcast_in_dim3A_169, %broadcast_in_dim3A_185 in 0 : vector<1x256xf32>, vector<1x256xf32>, vector<1x256xf32>, vector<1x256xf32>, vector<1x256xf32>, vector<1x256xf32>, vector<1x256xf32>, vector<1x256xf32> -> vector<8x256xf32>
        %concatenate3A_195 = tpu.concatenate %broadcast_in_dim3A_81, %broadcast_in_dim3A_97, %broadcast_in_dim3A_113, %broadcast_in_dim3A_129, %broadcast_in_dim3A_145, %broadcast_in_dim3A_161, %broadcast_in_dim3A_177, %broadcast_in_dim3A_193 in 0 : vector<1x256xi32>, vector<1x256xi32>, vector<1x256xi32>, vector<1x256xi32>, vector<1x256xi32>, vector<1x256xi32>, vector<1x256xi32>, vector<1x256xi32> -> vector<8x256xi32>
        scf.yield %concatenate3A_194, %concatenate3A_195 : vector<8x256xf32>, vector<8x256xi32>
      }
      %while3A_33 = arith.constant 1 : i32
      %while3A_34:2 = scf.for %while3A_39 = %while3A_30 to %while3A_26 step %while3A_33 iter_args(%while3A_40 = %while3A_32#0, %while3A_41 = %while3A_32#1) -> (vector<8x256xf32>, vector<8x256xi32>)  : i32 {
        %mul3A_42 = arith.constant 256 : i32
        %mul3A_43 = arith.muli %while3A_39, %mul3A_42 : i32
        %get3A_44 = arith.index_cast %mul3A_43 : i32 to index
        %get3A_45 = arith.constant 0 : index
        %get3A_46 = vector.load %arg2[%get3A_44, %get3A_45] : memref<8192x256xf32, #tpu.memory_space<vmem>>, vector<256x256xf32>
        %dot_general3A = arith.constant dense<0.000000e+00> : vector<256x256xf32>
        %dot_general3A_47 = tpu.matmul %get3A_46, %get3A_7, %dot_general3A {dimension_numbers = #tpu.dot_dimension_numbers<[1], [1], [0], [0], [0, 0, 1, 0], [], []>, transpose_lhs_hint = false} : vector<256x256xf32>, vector<256x256xf32>, vector<256x256xf32> -> vector<256x256xf32>
        %mul3A_48 = arith.constant 256 : i32
        %mul3A_49 = arith.muli %while3A_39, %mul3A_48 : i32
        %get3A_50 = arith.index_cast %mul3A_49 : i32 to index
        %get3A_51 = arith.constant 0 : index
        %get3A_52 = vector.load %arg3[%get3A_50, %get3A_51] : memref<8192x1xf32, #tpu.memory_space<vmem>>, vector<256x1xf32>
        %add3A_53 = vector.broadcast %get3A_52 : vector<256x1xf32> to vector<256x256xf32>
        %add3A_54 = vector.broadcast %get3A_12 : vector<1x256xf32> to vector<256x256xf32>
        %add3A_55 = arith.addf %add3A_53, %add3A_54 : vector<256x256xf32>
        %mul3A_56 = arith.constant 2.000000e+00 : f32
        %mul3A_57 = vector.broadcast %mul3A_56 : f32 to vector<256x256xf32>
        %mul3A_58 = arith.mulf %mul3A_57, %dot_general3A_47 : vector<256x256xf32>
        %sub3A = arith.subf %add3A_55, %mul3A_58 : vector<256x256xf32>
        %mul3A_59 = arith.constant 256 : i32
        %mul3A_60 = arith.muli %while3A_39, %mul3A_59 : i32
        %get3A_61 = arith.index_cast %mul3A_60 : i32 to index
        %get3A_62 = arith.constant 0 : index
        %get3A_63 = vector.load %arg4[%get3A_61, %get3A_62] : memref<8192x1xi32, #tpu.memory_space<vmem>>, vector<256x1xi32>
        %ne3A = vector.broadcast %get3A_63 : vector<256x1xi32> to vector<256x256xi32>
        %ne3A_64 = vector.broadcast %get3A_17 : vector<1x256xi32> to vector<256x256xi32>
        %ne3A_65 = arith.cmpi ne, %ne3A, %ne3A_64 : vector<256x256xi32>
        %jit3A = arith.constant 9.99999993E+36 : f32
        %broadcast_in_dim3A_66 = vector.broadcast %jit3A : f32 to vector<256x256xf32>
        %select_n3A = arith.select %ne3A_65, %broadcast_in_dim3A_66, %sub3A : vector<256x256xi1>, vector<256x256xf32>
        %iota3A_67 = tpu.iota {dimensions = array<i32: 0>} : vector<256x256xi32>
        %mul3A_68 = arith.constant 256 : i32
        %mul3A_69 = arith.muli %while3A_39, %mul3A_68 : i32
        %add3A_70 = vector.broadcast %mul3A_69 : i32 to vector<256x256xi32>
        %add3A_71 = arith.addi %iota3A_67, %add3A_70 : vector<256x256xi32>
        %concatenate3A = tpu.concatenate %while3A_40, %select_n3A in 0 : vector<8x256xf32>, vector<256x256xf32> -> vector<264x256xf32>
        %concatenate3A_72 = tpu.concatenate %while3A_41, %add3A_71 in 0 : vector<8x256xi32>, vector<256x256xi32> -> vector<264x256xi32>
        %reduce_min3A = arith.constant dense<0x7F800000> : vector<256xf32>
        %reduce_min3A_73 = vector.multi_reduction <minimumf>, %concatenate3A, %reduce_min3A [0] : vector<264x256xf32> to vector<256xf32>
        %broadcast_in_dim3A_74 = vector.shape_cast %reduce_min3A_73 : vector<256xf32> to vector<1x256xf32>
        %eq3A = vector.broadcast %broadcast_in_dim3A_74 : vector<1x256xf32> to vector<264x256xf32>
        %eq3A_75 = arith.cmpf oeq, %concatenate3A, %eq3A : vector<264x256xf32>
        %jit3A_76 = arith.constant 2147483647 : i32
        %broadcast_in_dim3A_77 = vector.broadcast %jit3A_76 : i32 to vector<264x256xi32>
        %select_n3A_78 = arith.select %eq3A_75, %concatenate3A_72, %broadcast_in_dim3A_77 : vector<264x256xi1>, vector<264x256xi32>
        %reduce_min3A_79 = arith.constant dense<2147483647> : vector<256xi32>
        %reduce_min3A_80 = vector.multi_reduction <minsi>, %select_n3A_78, %reduce_min3A_79 [0] : vector<264x256xi32> to vector<256xi32>
        %broadcast_in_dim3A_81 = vector.shape_cast %reduce_min3A_80 : vector<256xi32> to vector<1x256xi32>
        %eq3A_82 = vector.broadcast %broadcast_in_dim3A_81 : vector<1x256xi32> to vector<264x256xi32>
        %eq3A_83 = arith.cmpi eq, %concatenate3A_72, %eq3A_82 : vector<264x256xi32>
        %jit3A_84 = arith.constant 3.000000e+38 : f32
        %broadcast_in_dim3A_85 = vector.broadcast %jit3A_84 : f32 to vector<264x256xf32>
        %select_n3A_86 = arith.select %eq3A_83, %broadcast_in_dim3A_85, %concatenate3A : vector<264x256xi1>, vector<264x256xf32>
        %reduce_min3A_87 = arith.constant dense<0x7F800000> : vector<256xf32>
        %reduce_min3A_88 = vector.multi_reduction <minimumf>, %select_n3A_86, %reduce_min3A_87 [0] : vector<264x256xf32> to vector<256xf32>
        %broadcast_in_dim3A_89 = vector.shape_cast %reduce_min3A_88 : vector<256xf32> to vector<1x256xf32>
        %eq3A_90 = vector.broadcast %broadcast_in_dim3A_89 : vector<1x256xf32> to vector<264x256xf32>
        %eq3A_91 = arith.cmpf oeq, %select_n3A_86, %eq3A_90 : vector<264x256xf32>
        %jit3A_92 = arith.constant 2147483647 : i32
        %broadcast_in_dim3A_93 = vector.broadcast %jit3A_92 : i32 to vector<264x256xi32>
        %select_n3A_94 = arith.select %eq3A_91, %concatenate3A_72, %broadcast_in_dim3A_93 : vector<264x256xi1>, vector<264x256xi32>
        %reduce_min3A_95 = arith.constant dense<2147483647> : vector<256xi32>
        %reduce_min3A_96 = vector.multi_reduction <minsi>, %select_n3A_94, %reduce_min3A_95 [0] : vector<264x256xi32> to vector<256xi32>
        %broadcast_in_dim3A_97 = vector.shape_cast %reduce_min3A_96 : vector<256xi32> to vector<1x256xi32>
        %eq3A_98 = vector.broadcast %broadcast_in_dim3A_97 : vector<1x256xi32> to vector<264x256xi32>
        %eq3A_99 = arith.cmpi eq, %concatenate3A_72, %eq3A_98 : vector<264x256xi32>
        %jit3A_100 = arith.constant 3.000000e+38 : f32
        %broadcast_in_dim3A_101 = vector.broadcast %jit3A_100 : f32 to vector<264x256xf32>
        %select_n3A_102 = arith.select %eq3A_99, %broadcast_in_dim3A_101, %select_n3A_86 : vector<264x256xi1>, vector<264x256xf32>
        %reduce_min3A_103 = arith.constant dense<0x7F800000> : vector<256xf32>
        %reduce_min3A_104 = vector.multi_reduction <minimumf>, %select_n3A_102, %reduce_min3A_103 [0] : vector<264x256xf32> to vector<256xf32>
        %broadcast_in_dim3A_105 = vector.shape_cast %reduce_min3A_104 : vector<256xf32> to vector<1x256xf32>
        %eq3A_106 = vector.broadcast %broadcast_in_dim3A_105 : vector<1x256xf32> to vector<264x256xf32>
        %eq3A_107 = arith.cmpf oeq, %select_n3A_102, %eq3A_106 : vector<264x256xf32>
        %jit3A_108 = arith.constant 2147483647 : i32
        %broadcast_in_dim3A_109 = vector.broadcast %jit3A_108 : i32 to vector<264x256xi32>
        %select_n3A_110 = arith.select %eq3A_107, %concatenate3A_72, %broadcast_in_dim3A_109 : vector<264x256xi1>, vector<264x256xi32>
        %reduce_min3A_111 = arith.constant dense<2147483647> : vector<256xi32>
        %reduce_min3A_112 = vector.multi_reduction <minsi>, %select_n3A_110, %reduce_min3A_111 [0] : vector<264x256xi32> to vector<256xi32>
        %broadcast_in_dim3A_113 = vector.shape_cast %reduce_min3A_112 : vector<256xi32> to vector<1x256xi32>
        %eq3A_114 = vector.broadcast %broadcast_in_dim3A_113 : vector<1x256xi32> to vector<264x256xi32>
        %eq3A_115 = arith.cmpi eq, %concatenate3A_72, %eq3A_114 : vector<264x256xi32>
        %jit3A_116 = arith.constant 3.000000e+38 : f32
        %broadcast_in_dim3A_117 = vector.broadcast %jit3A_116 : f32 to vector<264x256xf32>
        %select_n3A_118 = arith.select %eq3A_115, %broadcast_in_dim3A_117, %select_n3A_102 : vector<264x256xi1>, vector<264x256xf32>
        %reduce_min3A_119 = arith.constant dense<0x7F800000> : vector<256xf32>
        %reduce_min3A_120 = vector.multi_reduction <minimumf>, %select_n3A_118, %reduce_min3A_119 [0] : vector<264x256xf32> to vector<256xf32>
        %broadcast_in_dim3A_121 = vector.shape_cast %reduce_min3A_120 : vector<256xf32> to vector<1x256xf32>
        %eq3A_122 = vector.broadcast %broadcast_in_dim3A_121 : vector<1x256xf32> to vector<264x256xf32>
        %eq3A_123 = arith.cmpf oeq, %select_n3A_118, %eq3A_122 : vector<264x256xf32>
        %jit3A_124 = arith.constant 2147483647 : i32
        %broadcast_in_dim3A_125 = vector.broadcast %jit3A_124 : i32 to vector<264x256xi32>
        %select_n3A_126 = arith.select %eq3A_123, %concatenate3A_72, %broadcast_in_dim3A_125 : vector<264x256xi1>, vector<264x256xi32>
        %reduce_min3A_127 = arith.constant dense<2147483647> : vector<256xi32>
        %reduce_min3A_128 = vector.multi_reduction <minsi>, %select_n3A_126, %reduce_min3A_127 [0] : vector<264x256xi32> to vector<256xi32>
        %broadcast_in_dim3A_129 = vector.shape_cast %reduce_min3A_128 : vector<256xi32> to vector<1x256xi32>
        %eq3A_130 = vector.broadcast %broadcast_in_dim3A_129 : vector<1x256xi32> to vector<264x256xi32>
        %eq3A_131 = arith.cmpi eq, %concatenate3A_72, %eq3A_130 : vector<264x256xi32>
        %jit3A_132 = arith.constant 3.000000e+38 : f32
        %broadcast_in_dim3A_133 = vector.broadcast %jit3A_132 : f32 to vector<264x256xf32>
        %select_n3A_134 = arith.select %eq3A_131, %broadcast_in_dim3A_133, %select_n3A_118 : vector<264x256xi1>, vector<264x256xf32>
        %reduce_min3A_135 = arith.constant dense<0x7F800000> : vector<256xf32>
        %reduce_min3A_136 = vector.multi_reduction <minimumf>, %select_n3A_134, %reduce_min3A_135 [0] : vector<264x256xf32> to vector<256xf32>
        %broadcast_in_dim3A_137 = vector.shape_cast %reduce_min3A_136 : vector<256xf32> to vector<1x256xf32>
        %eq3A_138 = vector.broadcast %broadcast_in_dim3A_137 : vector<1x256xf32> to vector<264x256xf32>
        %eq3A_139 = arith.cmpf oeq, %select_n3A_134, %eq3A_138 : vector<264x256xf32>
        %jit3A_140 = arith.constant 2147483647 : i32
        %broadcast_in_dim3A_141 = vector.broadcast %jit3A_140 : i32 to vector<264x256xi32>
        %select_n3A_142 = arith.select %eq3A_139, %concatenate3A_72, %broadcast_in_dim3A_141 : vector<264x256xi1>, vector<264x256xi32>
        %reduce_min3A_143 = arith.constant dense<2147483647> : vector<256xi32>
        %reduce_min3A_144 = vector.multi_reduction <minsi>, %select_n3A_142, %reduce_min3A_143 [0] : vector<264x256xi32> to vector<256xi32>
        %broadcast_in_dim3A_145 = vector.shape_cast %reduce_min3A_144 : vector<256xi32> to vector<1x256xi32>
        %eq3A_146 = vector.broadcast %broadcast_in_dim3A_145 : vector<1x256xi32> to vector<264x256xi32>
        %eq3A_147 = arith.cmpi eq, %concatenate3A_72, %eq3A_146 : vector<264x256xi32>
        %jit3A_148 = arith.constant 3.000000e+38 : f32
        %broadcast_in_dim3A_149 = vector.broadcast %jit3A_148 : f32 to vector<264x256xf32>
        %select_n3A_150 = arith.select %eq3A_147, %broadcast_in_dim3A_149, %select_n3A_134 : vector<264x256xi1>, vector<264x256xf32>
        %reduce_min3A_151 = arith.constant dense<0x7F800000> : vector<256xf32>
        %reduce_min3A_152 = vector.multi_reduction <minimumf>, %select_n3A_150, %reduce_min3A_151 [0] : vector<264x256xf32> to vector<256xf32>
        %broadcast_in_dim3A_153 = vector.shape_cast %reduce_min3A_152 : vector<256xf32> to vector<1x256xf32>
        %eq3A_154 = vector.broadcast %broadcast_in_dim3A_153 : vector<1x256xf32> to vector<264x256xf32>
        %eq3A_155 = arith.cmpf oeq, %select_n3A_150, %eq3A_154 : vector<264x256xf32>
        %jit3A_156 = arith.constant 2147483647 : i32
        %broadcast_in_dim3A_157 = vector.broadcast %jit3A_156 : i32 to vector<264x256xi32>
        %select_n3A_158 = arith.select %eq3A_155, %concatenate3A_72, %broadcast_in_dim3A_157 : vector<264x256xi1>, vector<264x256xi32>
        %reduce_min3A_159 = arith.constant dense<2147483647> : vector<256xi32>
        %reduce_min3A_160 = vector.multi_reduction <minsi>, %select_n3A_158, %reduce_min3A_159 [0] : vector<264x256xi32> to vector<256xi32>
        %broadcast_in_dim3A_161 = vector.shape_cast %reduce_min3A_160 : vector<256xi32> to vector<1x256xi32>
        %eq3A_162 = vector.broadcast %broadcast_in_dim3A_161 : vector<1x256xi32> to vector<264x256xi32>
        %eq3A_163 = arith.cmpi eq, %concatenate3A_72, %eq3A_162 : vector<264x256xi32>
        %jit3A_164 = arith.constant 3.000000e+38 : f32
        %broadcast_in_dim3A_165 = vector.broadcast %jit3A_164 : f32 to vector<264x256xf32>
        %select_n3A_166 = arith.select %eq3A_163, %broadcast_in_dim3A_165, %select_n3A_150 : vector<264x256xi1>, vector<264x256xf32>
        %reduce_min3A_167 = arith.constant dense<0x7F800000> : vector<256xf32>
        %reduce_min3A_168 = vector.multi_reduction <minimumf>, %select_n3A_166, %reduce_min3A_167 [0] : vector<264x256xf32> to vector<256xf32>
        %broadcast_in_dim3A_169 = vector.shape_cast %reduce_min3A_168 : vector<256xf32> to vector<1x256xf32>
        %eq3A_170 = vector.broadcast %broadcast_in_dim3A_169 : vector<1x256xf32> to vector<264x256xf32>
        %eq3A_171 = arith.cmpf oeq, %select_n3A_166, %eq3A_170 : vector<264x256xf32>
        %jit3A_172 = arith.constant 2147483647 : i32
        %broadcast_in_dim3A_173 = vector.broadcast %jit3A_172 : i32 to vector<264x256xi32>
        %select_n3A_174 = arith.select %eq3A_171, %concatenate3A_72, %broadcast_in_dim3A_173 : vector<264x256xi1>, vector<264x256xi32>
        %reduce_min3A_175 = arith.constant dense<2147483647> : vector<256xi32>
        %reduce_min3A_176 = vector.multi_reduction <minsi>, %select_n3A_174, %reduce_min3A_175 [0] : vector<264x256xi32> to vector<256xi32>
        %broadcast_in_dim3A_177 = vector.shape_cast %reduce_min3A_176 : vector<256xi32> to vector<1x256xi32>
        %eq3A_178 = vector.broadcast %broadcast_in_dim3A_177 : vector<1x256xi32> to vector<264x256xi32>
        %eq3A_179 = arith.cmpi eq, %concatenate3A_72, %eq3A_178 : vector<264x256xi32>
        %jit3A_180 = arith.constant 3.000000e+38 : f32
        %broadcast_in_dim3A_181 = vector.broadcast %jit3A_180 : f32 to vector<264x256xf32>
        %select_n3A_182 = arith.select %eq3A_179, %broadcast_in_dim3A_181, %select_n3A_166 : vector<264x256xi1>, vector<264x256xf32>
        %reduce_min3A_183 = arith.constant dense<0x7F800000> : vector<256xf32>
        %reduce_min3A_184 = vector.multi_reduction <minimumf>, %select_n3A_182, %reduce_min3A_183 [0] : vector<264x256xf32> to vector<256xf32>
        %broadcast_in_dim3A_185 = vector.shape_cast %reduce_min3A_184 : vector<256xf32> to vector<1x256xf32>
        %eq3A_186 = vector.broadcast %broadcast_in_dim3A_185 : vector<1x256xf32> to vector<264x256xf32>
        %eq3A_187 = arith.cmpf oeq, %select_n3A_182, %eq3A_186 : vector<264x256xf32>
        %jit3A_188 = arith.constant 2147483647 : i32
        %broadcast_in_dim3A_189 = vector.broadcast %jit3A_188 : i32 to vector<264x256xi32>
        %select_n3A_190 = arith.select %eq3A_187, %concatenate3A_72, %broadcast_in_dim3A_189 : vector<264x256xi1>, vector<264x256xi32>
        %reduce_min3A_191 = arith.constant dense<2147483647> : vector<256xi32>
        %reduce_min3A_192 = vector.multi_reduction <minsi>, %select_n3A_190, %reduce_min3A_191 [0] : vector<264x256xi32> to vector<256xi32>
        %broadcast_in_dim3A_193 = vector.shape_cast %reduce_min3A_192 : vector<256xi32> to vector<1x256xi32>
        %concatenate3A_194 = tpu.concatenate %broadcast_in_dim3A_74, %broadcast_in_dim3A_89, %broadcast_in_dim3A_105, %broadcast_in_dim3A_121, %broadcast_in_dim3A_137, %broadcast_in_dim3A_153, %broadcast_in_dim3A_169, %broadcast_in_dim3A_185 in 0 : vector<1x256xf32>, vector<1x256xf32>, vector<1x256xf32>, vector<1x256xf32>, vector<1x256xf32>, vector<1x256xf32>, vector<1x256xf32>, vector<1x256xf32> -> vector<8x256xf32>
        %concatenate3A_195 = tpu.concatenate %broadcast_in_dim3A_81, %broadcast_in_dim3A_97, %broadcast_in_dim3A_113, %broadcast_in_dim3A_129, %broadcast_in_dim3A_145, %broadcast_in_dim3A_161, %broadcast_in_dim3A_177, %broadcast_in_dim3A_193 in 0 : vector<1x256xi32>, vector<1x256xi32>, vector<1x256xi32>, vector<1x256xi32>, vector<1x256xi32>, vector<1x256xi32>, vector<1x256xi32>, vector<1x256xi32> -> vector<8x256xi32>
        scf.yield %concatenate3A_194, %concatenate3A_195 : vector<8x256xf32>, vector<8x256xi32>
      }
      %mul3A_35 = arith.constant 256 : i32
      %mul3A_36 = arith.muli %scan3A_4, %mul3A_35 : i32
      %swap3A = arith.constant 0 : index
      %swap3A_37 = arith.index_cast %mul3A_36 : i32 to index
      %swap3A_38 = vector.load %arg7[%swap3A, %swap3A_37] : memref<8x8192xi32, #tpu.memory_space<vmem>>, vector<8x256xi32>
      tpu.vector_store %arg7[%swap3A, %swap3A_37], %while3A_34#1 {strides = array<i32>} : memref<8x8192xi32, #tpu.memory_space<vmem>>, vector<8x256xi32>,
    }
    %scan3A_3 = arith.constant 32 : i32
    return
  }
}

module attributes {stable_mosaic.version = 14 : i64} {
  func.func @_mlp_body(%arg0: i32, %arg1: memref<1x32xi32, #tpu.memory_space<smem>>, %arg2: memref<1x32xi32, #tpu.memory_space<smem>>, %arg3: memref<256x256xf32, #tpu.memory_space<vmem>>, %arg4: memref<2x8x256x128xf32, #tpu.memory_space<vmem>>, %arg5: memref<256x1xi32, #tpu.memory_space<vmem>>, %arg6: memref<256x256xf32, #tpu.memory_space<vmem>>, %arg7: memref<1x256xf32, #tpu.memory_space<vmem>>, %arg8: memref<1x256xf32, #tpu.memory_space<vmem>>, %arg9: memref<1x256xf32, #tpu.memory_space<vmem>>, %arg10: memref<64x256xf32, #tpu.memory_space<vmem>>) attributes {dimension_semantics = [#tpu.dimension_semantics<arbitrary>], iteration_bounds = array<i64: 32>, scalar_prefetch = 0 : i64, scratch_operands = 0 : i64, tpu.core_type = #tpu.core_type<tc>, window_params = [{transform_indices = @transform_0, window_bounds = array<i64: 1, 32>}, {transform_indices = @transform_1, window_bounds = array<i64: 1, 32>}, {transform_indices = @transform_2, window_bounds = array<i64: 256, 256>}, {transform_indices = @transform_3, window_bounds = array<i64: 2, 8, 256, 128>}, {transform_indices = @transform_4, window_bounds = array<i64: 256, 1>}, {pipeline_mode = #tpu.pipeline_mode<synchronous>, transform_indices = @transform_5, window_bounds = array<i64: 256, 256>}, {pipeline_mode = #tpu.pipeline_mode<synchronous>, transform_indices = @transform_6, window_bounds = array<i64: 1, 256>}, {pipeline_mode = #tpu.pipeline_mode<synchronous>, transform_indices = @transform_7, window_bounds = array<i64: 1, 256>}, {pipeline_mode = #tpu.pipeline_mode<synchronous>, transform_indices = @transform_8, window_bounds = array<i64: 1, 256>}, {pipeline_mode = #tpu.pipeline_mode<synchronous>, transform_indices = @transform_9, window_bounds = array<i64: 64, 256>}]} {
    %eq3A = arith.constant 0 : i32
    %eq3A_0 = arith.cmpi eq, %arg0, %eq3A : i32
    %convert_element_type3A = arith.extui %eq3A_0 : i1 to i32
    %cond3A = arith.constant 0 : i32
    %cond3A_1 = arith.cmpi ne, %convert_element_type3A, %cond3A : i32
    scf.if %cond3A_1 {
      %broadcast_in_dim3A_263 = arith.constant -3.000000e+38 : f32
      %broadcast_in_dim3A_264 = vector.broadcast %broadcast_in_dim3A_263 : f32 to vector<64x256xf32>
      %swap3A = arith.constant 0 : index
      %swap3A_265 = arith.constant 0 : index
      %swap3A_266 = vector.load %arg10[%swap3A, %swap3A_265] : memref<64x256xf32, #tpu.memory_space<vmem>>, vector<64x256xf32>
      tpu.vector_store %arg10[%swap3A, %swap3A_265], %broadcast_in_dim3A_264 {strides = array<i32>} : memref<64x256xf32, #tpu.memory_space<vmem>>, vector<64x256xf32>,
    } else {
    }
    %get3A = arith.constant 0 : index
    %get3A_2 = arith.constant 0 : index
    %get3A_3 = vector.load %arg3[%get3A, %get3A_2] : memref<256x256xf32, #tpu.memory_space<vmem>>, vector<256x256xf32>
    %get3A_4 = arith.constant 0 : index
    %get3A_5 = arith.constant 0 : index
    %get3A_6 = vector.load %arg6[%get3A_4, %get3A_5] : memref<256x256xf32, #tpu.memory_space<vmem>>, vector<256x256xf32>
    %get3A_7 = arith.constant 0 : index
    %get3A_8 = arith.constant 0 : index
    %get3A_9 = vector.load %arg7[%get3A_7, %get3A_8] : memref<1x256xf32, #tpu.memory_space<vmem>>, vector<1x256xf32>
    %get3A_10 = arith.constant 0 : index
    %get3A_11 = arith.constant 0 : index
    %get3A_12 = vector.load %arg8[%get3A_10, %get3A_11] : memref<1x256xf32, #tpu.memory_space<vmem>>, vector<1x256xf32>
    %get3A_13 = arith.constant 0 : index
    %get3A_14 = arith.constant 0 : index
    %get3A_15 = vector.load %arg9[%get3A_13, %get3A_14] : memref<1x256xf32, #tpu.memory_space<vmem>>, vector<1x256xf32>
    %broadcast_in_dim3A = arith.constant 0.000000e+00 : f32
    %broadcast_in_dim3A_16 = vector.broadcast %broadcast_in_dim3A : f32 to vector<256x256xf32>
    %get3A_17 = arith.constant 0 : index
    %get3A_18 = arith.constant 0 : index
    %get3A_19 = arith.constant 0 : index
    %get3A_20 = arith.constant 0 : index
    %get3A_21 = vector.load %arg4[%get3A_17, %get3A_18, %get3A_19, %get3A_20] : memref<2x8x256x128xf32, #tpu.memory_space<vmem>>, vector<1x1x256x128xf32>
    %get3A_22 = vector.shape_cast %get3A_21 : vector<1x1x256x128xf32> to vector<256x128xf32>
    %get3A_23 = arith.constant 1 : index
    %get3A_24 = arith.constant 0 : index
    %get3A_25 = arith.constant 0 : index
    %get3A_26 = arith.constant 0 : index
    %get3A_27 = vector.load %arg4[%get3A_23, %get3A_24, %get3A_25, %get3A_26] : memref<2x8x256x128xf32, #tpu.memory_space<vmem>>, vector<1x1x256x128xf32>
    %get3A_28 = vector.shape_cast %get3A_27 : vector<1x1x256x128xf32> to vector<256x128xf32>
    %concatenate3A = tpu.concatenate %get3A_22, %get3A_28 in 1 : vector<256x128xf32>, vector<256x128xf32> -> vector<256x256xf32>
    %add3A = arith.addf %get3A_3, %concatenate3A : vector<256x256xf32>
    %max3A = arith.constant 0.000000e+00 : f32
    %max3A_29 = vector.broadcast %max3A : f32 to vector<256x256xf32>
    %max3A_30 = arith.maximumf %add3A, %max3A_29 : vector<256x256xf32>
    %dot_general3A = arith.constant dense<0.000000e+00> : vector<256x256xf32>
    %dot_general3A_31 = tpu.matmul %max3A_30, %get3A_6, %dot_general3A {dimension_numbers = #tpu.dot_dimension_numbers<[1], [0], [0], [1], [0, 0, 1, 1], [], []>, transpose_lhs_hint = false} : vector<256x256xf32>, vector<256x256xf32>, vector<256x256xf32> -> vector<256x256xf32>
    %add3A_32 = vector.broadcast %get3A_9 : vector<1x256xf32> to vector<256x256xf32>
    %add3A_33 = arith.addf %dot_general3A_31, %add3A_32 : vector<256x256xf32>
    %mul3A = vector.broadcast %get3A_12 : vector<1x256xf32> to vector<256x256xf32>
    %mul3A_34 = arith.mulf %add3A_33, %mul3A : vector<256x256xf32>
    %add3A_35 = vector.broadcast %get3A_15 : vector<1x256xf32> to vector<256x256xf32>
    %add3A_36 = arith.addf %mul3A_34, %add3A_35 : vector<256x256xf32>
    %max3A_37 = arith.constant 0.000000e+00 : f32
    %max3A_38 = vector.broadcast %max3A_37 : f32 to vector<256x256xf32>
    %max3A_39 = arith.maximumf %add3A_36, %max3A_38 : vector<256x256xf32>
    %max3A_40 = arith.maximumf %broadcast_in_dim3A_16, %max3A_39 : vector<256x256xf32>
    %get3A_41 = arith.constant 0 : index
    %get3A_42 = arith.constant 1 : index
    %get3A_43 = arith.constant 0 : index
    %get3A_44 = arith.constant 0 : index
    %get3A_45 = vector.load %arg4[%get3A_41, %get3A_42, %get3A_43, %get3A_44] : memref<2x8x256x128xf32, #tpu.memory_space<vmem>>, vector<1x1x256x128xf32>
    %get3A_46 = vector.shape_cast %get3A_45 : vector<1x1x256x128xf32> to vector<256x128xf32>
    %get3A_47 = arith.constant 1 : index
    %get3A_48 = arith.constant 1 : index
    %get3A_49 = arith.constant 0 : index
    %get3A_50 = arith.constant 0 : index
    %get3A_51 = vector.load %arg4[%get3A_47, %get3A_48, %get3A_49, %get3A_50] : memref<2x8x256x128xf32, #tpu.memory_space<vmem>>, vector<1x1x256x128xf32>
    %get3A_52 = vector.shape_cast %get3A_51 : vector<1x1x256x128xf32> to vector<256x128xf32>
    %concatenate3A_53 = tpu.concatenate %get3A_46, %get3A_52 in 1 : vector<256x128xf32>, vector<256x128xf32> -> vector<256x256xf32>
    %add3A_54 = arith.addf %get3A_3, %concatenate3A_53 : vector<256x256xf32>
    %max3A_55 = arith.constant 0.000000e+00 : f32
    %max3A_56 = vector.broadcast %max3A_55 : f32 to vector<256x256xf32>
    %max3A_57 = arith.maximumf %add3A_54, %max3A_56 : vector<256x256xf32>
    %dot_general3A_58 = arith.constant dense<0.000000e+00> : vector<256x256xf32>
    %dot_general3A_59 = tpu.matmul %max3A_57, %get3A_6, %dot_general3A_58 {dimension_numbers = #tpu.dot_dimension_numbers<[1], [0], [0], [1], [0, 0, 1, 1], [], []>, transpose_lhs_hint = false} : vector<256x256xf32>, vector<256x256xf32>, vector<256x256xf32> -> vector<256x256xf32>
    %add3A_60 = vector.broadcast %get3A_9 : vector<1x256xf32> to vector<256x256xf32>
    %add3A_61 = arith.addf %dot_general3A_59, %add3A_60 : vector<256x256xf32>
    %mul3A_62 = vector.broadcast %get3A_12 : vector<1x256xf32> to vector<256x256xf32>
    %mul3A_63 = arith.mulf %add3A_61, %mul3A_62 : vector<256x256xf32>
    %add3A_64 = vector.broadcast %get3A_15 : vector<1x256xf32> to vector<256x256xf32>
    %add3A_65 = arith.addf %mul3A_63, %add3A_64 : vector<256x256xf32>
    %max3A_66 = arith.constant 0.000000e+00 : f32
    %max3A_67 = vector.broadcast %max3A_66 : f32 to vector<256x256xf32>
    %max3A_68 = arith.maximumf %add3A_65, %max3A_67 : vector<256x256xf32>
    %max3A_69 = arith.maximumf %max3A_40, %max3A_68 : vector<256x256xf32>
    %get3A_70 = arith.constant 0 : index
    %get3A_71 = arith.constant 2 : index
    %get3A_72 = arith.constant 0 : index
    %get3A_73 = arith.constant 0 : index
    %get3A_74 = vector.load %arg4[%get3A_70, %get3A_71, %get3A_72, %get3A_73] : memref<2x8x256x128xf32, #tpu.memory_space<vmem>>, vector<1x1x256x128xf32>
    %get3A_75 = vector.shape_cast %get3A_74 : vector<1x1x256x128xf32> to vector<256x128xf32>
    %get3A_76 = arith.constant 1 : index
    %get3A_77 = arith.constant 2 : index
    %get3A_78 = arith.constant 0 : index
    %get3A_79 = arith.constant 0 : index
    %get3A_80 = vector.load %arg4[%get3A_76, %get3A_77, %get3A_78, %get3A_79] : memref<2x8x256x128xf32, #tpu.memory_space<vmem>>, vector<1x1x256x128xf32>
    %get3A_81 = vector.shape_cast %get3A_80 : vector<1x1x256x128xf32> to vector<256x128xf32>
    %concatenate3A_82 = tpu.concatenate %get3A_75, %get3A_81 in 1 : vector<256x128xf32>, vector<256x128xf32> -> vector<256x256xf32>
    %add3A_83 = arith.addf %get3A_3, %concatenate3A_82 : vector<256x256xf32>
    %max3A_84 = arith.constant 0.000000e+00 : f32
    %max3A_85 = vector.broadcast %max3A_84 : f32 to vector<256x256xf32>
    %max3A_86 = arith.maximumf %add3A_83, %max3A_85 : vector<256x256xf32>
    %dot_general3A_87 = arith.constant dense<0.000000e+00> : vector<256x256xf32>
    %dot_general3A_88 = tpu.matmul %max3A_86, %get3A_6, %dot_general3A_87 {dimension_numbers = #tpu.dot_dimension_numbers<[1], [0], [0], [1], [0, 0, 1, 1], [], []>, transpose_lhs_hint = false} : vector<256x256xf32>, vector<256x256xf32>, vector<256x256xf32> -> vector<256x256xf32>
    %add3A_89 = vector.broadcast %get3A_9 : vector<1x256xf32> to vector<256x256xf32>
    %add3A_90 = arith.addf %dot_general3A_88, %add3A_89 : vector<256x256xf32>
    %mul3A_91 = vector.broadcast %get3A_12 : vector<1x256xf32> to vector<256x256xf32>
    %mul3A_92 = arith.mulf %add3A_90, %mul3A_91 : vector<256x256xf32>
    %add3A_93 = vector.broadcast %get3A_15 : vector<1x256xf32> to vector<256x256xf32>
    %add3A_94 = arith.addf %mul3A_92, %add3A_93 : vector<256x256xf32>
    %max3A_95 = arith.constant 0.000000e+00 : f32
    %max3A_96 = vector.broadcast %max3A_95 : f32 to vector<256x256xf32>
    %max3A_97 = arith.maximumf %add3A_94, %max3A_96 : vector<256x256xf32>
    %max3A_98 = arith.maximumf %max3A_69, %max3A_97 : vector<256x256xf32>
    %get3A_99 = arith.constant 0 : index
    %get3A_100 = arith.constant 3 : index
    %get3A_101 = arith.constant 0 : index
    %get3A_102 = arith.constant 0 : index
    %get3A_103 = vector.load %arg4[%get3A_99, %get3A_100, %get3A_101, %get3A_102] : memref<2x8x256x128xf32, #tpu.memory_space<vmem>>, vector<1x1x256x128xf32>
    %get3A_104 = vector.shape_cast %get3A_103 : vector<1x1x256x128xf32> to vector<256x128xf32>
    %get3A_105 = arith.constant 1 : index
    %get3A_106 = arith.constant 3 : index
    %get3A_107 = arith.constant 0 : index
    %get3A_108 = arith.constant 0 : index
    %get3A_109 = vector.load %arg4[%get3A_105, %get3A_106, %get3A_107, %get3A_108] : memref<2x8x256x128xf32, #tpu.memory_space<vmem>>, vector<1x1x256x128xf32>
    %get3A_110 = vector.shape_cast %get3A_109 : vector<1x1x256x128xf32> to vector<256x128xf32>
    %concatenate3A_111 = tpu.concatenate %get3A_104, %get3A_110 in 1 : vector<256x128xf32>, vector<256x128xf32> -> vector<256x256xf32>
    %add3A_112 = arith.addf %get3A_3, %concatenate3A_111 : vector<256x256xf32>
    %max3A_113 = arith.constant 0.000000e+00 : f32
    %max3A_114 = vector.broadcast %max3A_113 : f32 to vector<256x256xf32>
    %max3A_115 = arith.maximumf %add3A_112, %max3A_114 : vector<256x256xf32>
    %dot_general3A_116 = arith.constant dense<0.000000e+00> : vector<256x256xf32>
    %dot_general3A_117 = tpu.matmul %max3A_115, %get3A_6, %dot_general3A_116 {dimension_numbers = #tpu.dot_dimension_numbers<[1], [0], [0], [1], [0, 0, 1, 1], [], []>, transpose_lhs_hint = false} : vector<256x256xf32>, vector<256x256xf32>, vector<256x256xf32> -> vector<256x256xf32>
    %add3A_118 = vector.broadcast %get3A_9 : vector<1x256xf32> to vector<256x256xf32>
    %add3A_119 = arith.addf %dot_general3A_117, %add3A_118 : vector<256x256xf32>
    %mul3A_120 = vector.broadcast %get3A_12 : vector<1x256xf32> to vector<256x256xf32>
    %mul3A_121 = arith.mulf %add3A_119, %mul3A_120 : vector<256x256xf32>
    %add3A_122 = vector.broadcast %get3A_15 : vector<1x256xf32> to vector<256x256xf32>
    %add3A_123 = arith.addf %mul3A_121, %add3A_122 : vector<256x256xf32>
    %max3A_124 = arith.constant 0.000000e+00 : f32
    %max3A_125 = vector.broadcast %max3A_124 : f32 to vector<256x256xf32>
    %max3A_126 = arith.maximumf %add3A_123, %max3A_125 : vector<256x256xf32>
    %max3A_127 = arith.maximumf %max3A_98, %max3A_126 : vector<256x256xf32>
    %get3A_128 = arith.constant 0 : index
    %get3A_129 = arith.constant 4 : index
    %get3A_130 = arith.constant 0 : index
    %get3A_131 = arith.constant 0 : index
    %get3A_132 = vector.load %arg4[%get3A_128, %get3A_129, %get3A_130, %get3A_131] : memref<2x8x256x128xf32, #tpu.memory_space<vmem>>, vector<1x1x256x128xf32>
    %get3A_133 = vector.shape_cast %get3A_132 : vector<1x1x256x128xf32> to vector<256x128xf32>
    %get3A_134 = arith.constant 1 : index
    %get3A_135 = arith.constant 4 : index
    %get3A_136 = arith.constant 0 : index
    %get3A_137 = arith.constant 0 : index
    %get3A_138 = vector.load %arg4[%get3A_134, %get3A_135, %get3A_136, %get3A_137] : memref<2x8x256x128xf32, #tpu.memory_space<vmem>>, vector<1x1x256x128xf32>
    %get3A_139 = vector.shape_cast %get3A_138 : vector<1x1x256x128xf32> to vector<256x128xf32>
    %concatenate3A_140 = tpu.concatenate %get3A_133, %get3A_139 in 1 : vector<256x128xf32>, vector<256x128xf32> -> vector<256x256xf32>
    %add3A_141 = arith.addf %get3A_3, %concatenate3A_140 : vector<256x256xf32>
    %max3A_142 = arith.constant 0.000000e+00 : f32
    %max3A_143 = vector.broadcast %max3A_142 : f32 to vector<256x256xf32>
    %max3A_144 = arith.maximumf %add3A_141, %max3A_143 : vector<256x256xf32>
    %dot_general3A_145 = arith.constant dense<0.000000e+00> : vector<256x256xf32>
    %dot_general3A_146 = tpu.matmul %max3A_144, %get3A_6, %dot_general3A_145 {dimension_numbers = #tpu.dot_dimension_numbers<[1], [0], [0], [1], [0, 0, 1, 1], [], []>, transpose_lhs_hint = false} : vector<256x256xf32>, vector<256x256xf32>, vector<256x256xf32> -> vector<256x256xf32>
    %add3A_147 = vector.broadcast %get3A_9 : vector<1x256xf32> to vector<256x256xf32>
    %add3A_148 = arith.addf %dot_general3A_146, %add3A_147 : vector<256x256xf32>
    %mul3A_149 = vector.broadcast %get3A_12 : vector<1x256xf32> to vector<256x256xf32>
    %mul3A_150 = arith.mulf %add3A_148, %mul3A_149 : vector<256x256xf32>
    %add3A_151 = vector.broadcast %get3A_15 : vector<1x256xf32> to vector<256x256xf32>
    %add3A_152 = arith.addf %mul3A_150, %add3A_151 : vector<256x256xf32>
    %max3A_153 = arith.constant 0.000000e+00 : f32
    %max3A_154 = vector.broadcast %max3A_153 : f32 to vector<256x256xf32>
    %max3A_155 = arith.maximumf %add3A_152, %max3A_154 : vector<256x256xf32>
    %max3A_156 = arith.maximumf %max3A_127, %max3A_155 : vector<256x256xf32>
    %get3A_157 = arith.constant 0 : index
    %get3A_158 = arith.constant 5 : index
    %get3A_159 = arith.constant 0 : index
    %get3A_160 = arith.constant 0 : index
    %get3A_161 = vector.load %arg4[%get3A_157, %get3A_158, %get3A_159, %get3A_160] : memref<2x8x256x128xf32, #tpu.memory_space<vmem>>, vector<1x1x256x128xf32>
    %get3A_162 = vector.shape_cast %get3A_161 : vector<1x1x256x128xf32> to vector<256x128xf32>
    %get3A_163 = arith.constant 1 : index
    %get3A_164 = arith.constant 5 : index
    %get3A_165 = arith.constant 0 : index
    %get3A_166 = arith.constant 0 : index
    %get3A_167 = vector.load %arg4[%get3A_163, %get3A_164, %get3A_165, %get3A_166] : memref<2x8x256x128xf32, #tpu.memory_space<vmem>>, vector<1x1x256x128xf32>
    %get3A_168 = vector.shape_cast %get3A_167 : vector<1x1x256x128xf32> to vector<256x128xf32>
    %concatenate3A_169 = tpu.concatenate %get3A_162, %get3A_168 in 1 : vector<256x128xf32>, vector<256x128xf32> -> vector<256x256xf32>
    %add3A_170 = arith.addf %get3A_3, %concatenate3A_169 : vector<256x256xf32>
    %max3A_171 = arith.constant 0.000000e+00 : f32
    %max3A_172 = vector.broadcast %max3A_171 : f32 to vector<256x256xf32>
    %max3A_173 = arith.maximumf %add3A_170, %max3A_172 : vector<256x256xf32>
    %dot_general3A_174 = arith.constant dense<0.000000e+00> : vector<256x256xf32>
    %dot_general3A_175 = tpu.matmul %max3A_173, %get3A_6, %dot_general3A_174 {dimension_numbers = #tpu.dot_dimension_numbers<[1], [0], [0], [1], [0, 0, 1, 1], [], []>, transpose_lhs_hint = false} : vector<256x256xf32>, vector<256x256xf32>, vector<256x256xf32> -> vector<256x256xf32>
    %add3A_176 = vector.broadcast %get3A_9 : vector<1x256xf32> to vector<256x256xf32>
    %add3A_177 = arith.addf %dot_general3A_175, %add3A_176 : vector<256x256xf32>
    %mul3A_178 = vector.broadcast %get3A_12 : vector<1x256xf32> to vector<256x256xf32>
    %mul3A_179 = arith.mulf %add3A_177, %mul3A_178 : vector<256x256xf32>
    %add3A_180 = vector.broadcast %get3A_15 : vector<1x256xf32> to vector<256x256xf32>
    %add3A_181 = arith.addf %mul3A_179, %add3A_180 : vector<256x256xf32>
    %max3A_182 = arith.constant 0.000000e+00 : f32
    %max3A_183 = vector.broadcast %max3A_182 : f32 to vector<256x256xf32>
    %max3A_184 = arith.maximumf %add3A_181, %max3A_183 : vector<256x256xf32>
    %max3A_185 = arith.maximumf %max3A_156, %max3A_184 : vector<256x256xf32>
    %get3A_186 = arith.constant 0 : index
    %get3A_187 = arith.constant 6 : index
    %get3A_188 = arith.constant 0 : index
    %get3A_189 = arith.constant 0 : index
    %get3A_190 = vector.load %arg4[%get3A_186, %get3A_187, %get3A_188, %get3A_189] : memref<2x8x256x128xf32, #tpu.memory_space<vmem>>, vector<1x1x256x128xf32>
    %get3A_191 = vector.shape_cast %get3A_190 : vector<1x1x256x128xf32> to vector<256x128xf32>
    %get3A_192 = arith.constant 1 : index
    %get3A_193 = arith.constant 6 : index
    %get3A_194 = arith.constant 0 : index
    %get3A_195 = arith.constant 0 : index
    %get3A_196 = vector.load %arg4[%get3A_192, %get3A_193, %get3A_194, %get3A_195] : memref<2x8x256x128xf32, #tpu.memory_space<vmem>>, vector<1x1x256x128xf32>
    %get3A_197 = vector.shape_cast %get3A_196 : vector<1x1x256x128xf32> to vector<256x128xf32>
    %concatenate3A_198 = tpu.concatenate %get3A_191, %get3A_197 in 1 : vector<256x128xf32>, vector<256x128xf32> -> vector<256x256xf32>
    %add3A_199 = arith.addf %get3A_3, %concatenate3A_198 : vector<256x256xf32>
    %max3A_200 = arith.constant 0.000000e+00 : f32
    %max3A_201 = vector.broadcast %max3A_200 : f32 to vector<256x256xf32>
    %max3A_202 = arith.maximumf %add3A_199, %max3A_201 : vector<256x256xf32>
    %dot_general3A_203 = arith.constant dense<0.000000e+00> : vector<256x256xf32>
    %dot_general3A_204 = tpu.matmul %max3A_202, %get3A_6, %dot_general3A_203 {dimension_numbers = #tpu.dot_dimension_numbers<[1], [0], [0], [1], [0, 0, 1, 1], [], []>, transpose_lhs_hint = false} : vector<256x256xf32>, vector<256x256xf32>, vector<256x256xf32> -> vector<256x256xf32>
    %add3A_205 = vector.broadcast %get3A_9 : vector<1x256xf32> to vector<256x256xf32>
    %add3A_206 = arith.addf %dot_general3A_204, %add3A_205 : vector<256x256xf32>
    %mul3A_207 = vector.broadcast %get3A_12 : vector<1x256xf32> to vector<256x256xf32>
    %mul3A_208 = arith.mulf %add3A_206, %mul3A_207 : vector<256x256xf32>
    %add3A_209 = vector.broadcast %get3A_15 : vector<1x256xf32> to vector<256x256xf32>
    %add3A_210 = arith.addf %mul3A_208, %add3A_209 : vector<256x256xf32>
    %max3A_211 = arith.constant 0.000000e+00 : f32
    %max3A_212 = vector.broadcast %max3A_211 : f32 to vector<256x256xf32>
    %max3A_213 = arith.maximumf %add3A_210, %max3A_212 : vector<256x256xf32>
    %max3A_214 = arith.maximumf %max3A_185, %max3A_213 : vector<256x256xf32>
    %get3A_215 = arith.constant 0 : index
    %get3A_216 = arith.constant 7 : index
    %get3A_217 = arith.constant 0 : index
    %get3A_218 = arith.constant 0 : index
    %get3A_219 = vector.load %arg4[%get3A_215, %get3A_216, %get3A_217, %get3A_218] : memref<2x8x256x128xf32, #tpu.memory_space<vmem>>, vector<1x1x256x128xf32>
    %get3A_220 = vector.shape_cast %get3A_219 : vector<1x1x256x128xf32> to vector<256x128xf32>
    %get3A_221 = arith.constant 1 : index
    %get3A_222 = arith.constant 7 : index
    %get3A_223 = arith.constant 0 : index
    %get3A_224 = arith.constant 0 : index
    %get3A_225 = vector.load %arg4[%get3A_221, %get3A_222, %get3A_223, %get3A_224] : memref<2x8x256x128xf32, #tpu.memory_space<vmem>>, vector<1x1x256x128xf32>
    %get3A_226 = vector.shape_cast %get3A_225 : vector<1x1x256x128xf32> to vector<256x128xf32>
    %concatenate3A_227 = tpu.concatenate %get3A_220, %get3A_226 in 1 : vector<256x128xf32>, vector<256x128xf32> -> vector<256x256xf32>
    %add3A_228 = arith.addf %get3A_3, %concatenate3A_227 : vector<256x256xf32>
    %max3A_229 = arith.constant 0.000000e+00 : f32
    %max3A_230 = vector.broadcast %max3A_229 : f32 to vector<256x256xf32>
    %max3A_231 = arith.maximumf %add3A_228, %max3A_230 : vector<256x256xf32>
    %dot_general3A_232 = arith.constant dense<0.000000e+00> : vector<256x256xf32>
    %dot_general3A_233 = tpu.matmul %max3A_231, %get3A_6, %dot_general3A_232 {dimension_numbers = #tpu.dot_dimension_numbers<[1], [0], [0], [1], [0, 0, 1, 1], [], []>, transpose_lhs_hint = false} : vector<256x256xf32>, vector<256x256xf32>, vector<256x256xf32> -> vector<256x256xf32>
    %add3A_234 = vector.broadcast %get3A_9 : vector<1x256xf32> to vector<256x256xf32>
    %add3A_235 = arith.addf %dot_general3A_233, %add3A_234 : vector<256x256xf32>
    %mul3A_236 = vector.broadcast %get3A_12 : vector<1x256xf32> to vector<256x256xf32>
    %mul3A_237 = arith.mulf %add3A_235, %mul3A_236 : vector<256x256xf32>
    %add3A_238 = vector.broadcast %get3A_15 : vector<1x256xf32> to vector<256x256xf32>
    %add3A_239 = arith.addf %mul3A_237, %add3A_238 : vector<256x256xf32>
    %max3A_240 = arith.constant 0.000000e+00 : f32
    %max3A_241 = vector.broadcast %max3A_240 : f32 to vector<256x256xf32>
    %max3A_242 = arith.maximumf %add3A_239, %max3A_241 : vector<256x256xf32>
    %max3A_243 = arith.maximumf %max3A_214, %max3A_242 : vector<256x256xf32>
    %get3A_244 = arith.constant 0 : index
    %get3A_245 = arith.constant 0 : index
    %get3A_246 = vector.load %arg5[%get3A_244, %get3A_245] : memref<256x1xi32, #tpu.memory_space<vmem>>, vector<256x1xi32>
    %get3A_247 = arith.constant 0 : index
    %get3A_248 = arith.index_cast %arg0 : i32 to index
    %get3A_249 = memref.load %arg1[%get3A_247, %get3A_248] : memref<1x32xi32, #tpu.memory_space<smem>>
    %get3A_250 = arith.constant 0 : index
    %get3A_251 = arith.index_cast %arg0 : i32 to index
    %get3A_252 = memref.load %arg2[%get3A_250, %get3A_251] : memref<1x32xi32, #tpu.memory_space<smem>>
    %add3A_253 = arith.constant 1 : i32
    %add3A_254 = arith.addi %get3A_252, %add3A_253 : i32
    %while3A = arith.constant 0 : i32
    %while3A_255 = arith.subi %add3A_254, %get3A_249 : i32
    %while3A_256 = arith.addi %get3A_249, %while3A_255 : i32
    %while3A_257 = arith.constant 1 : i32
    %while3A_258 = arith.divsi %while3A_255, %while3A_257 : i32
    %while3A_259 = arith.muli %while3A_258, %while3A_257 : i32
    %while3A_260 = arith.addi %get3A_249, %while3A_259 : i32
    %while3A_261 = arith.constant 1 : i32
    scf.for %while3A_263 = %get3A_249 to %while3A_260 step %while3A_261  : i32 {
      %eq3A_264 = vector.broadcast %while3A_263 : i32 to vector<256x1xi32>
      %eq3A_265 = arith.cmpi eq, %get3A_246, %eq3A_264 : vector<256x1xi32>
      %jit3A = arith.constant -3.000000e+38 : f32
      %broadcast_in_dim3A_266 = vector.shape_cast %eq3A_265 : vector<256x1xi1> to vector<256x1xi1>
      %broadcast_in_dim3A_267 = vector.broadcast %broadcast_in_dim3A_266 : vector<256x1xi1> to vector<256x256xi1>
      %broadcast_in_dim3A_268 = vector.broadcast %jit3A : f32 to vector<256x256xf32>
      %select_n3A = arith.select %broadcast_in_dim3A_267, %max3A_243, %broadcast_in_dim3A_268 : vector<256x256xi1>, vector<256x256xf32>
      %reduce_max3A = arith.constant dense<0xFF800000> : vector<256xf32>
      %reduce_max3A_269 = vector.multi_reduction <maximumf>, %select_n3A, %reduce_max3A [0] : vector<256x256xf32> to vector<256xf32>
      %broadcast_in_dim3A_270 = vector.shape_cast %reduce_max3A_269 : vector<256xf32> to vector<1x256xf32>
      %get3A_271 = arith.index_cast %while3A_263 : i32 to index
      %get3A_272 = arith.constant 0 : index
      %get3A_273 = vector.load %arg10[%get3A_271, %get3A_272] : memref<64x256xf32, #tpu.memory_space<vmem>>, vector<1x256xf32>
      %max3A_274 = arith.maximumf %get3A_273, %broadcast_in_dim3A_270 : vector<1x256xf32>
      %swap3A = arith.index_cast %while3A_263 : i32 to index
      %swap3A_275 = arith.constant 0 : index
      %swap3A_276 = vector.load %arg10[%swap3A, %swap3A_275] : memref<64x256xf32, #tpu.memory_space<vmem>>, vector<1x256xf32>
      tpu.vector_store %arg10[%swap3A, %swap3A_275], %max3A_274 {strides = array<i32>} : memref<64x256xf32, #tpu.memory_space<vmem>>, vector<1x256xf32>,
    }
    %while3A_262 = arith.constant 1 : i32
    scf.for %while3A_263 = %while3A_260 to %while3A_256 step %while3A_262  : i32 {
      %eq3A_264 = vector.broadcast %while3A_263 : i32 to vector<256x1xi32>
      %eq3A_265 = arith.cmpi eq, %get3A_246, %eq3A_264 : vector<256x1xi32>
      %jit3A = arith.constant -3.000000e+38 : f32
      %broadcast_in_dim3A_266 = vector.shape_cast %eq3A_265 : vector<256x1xi1> to vector<256x1xi1>
      %broadcast_in_dim3A_267 = vector.broadcast %broadcast_in_dim3A_266 : vector<256x1xi1> to vector<256x256xi1>
      %broadcast_in_dim3A_268 = vector.broadcast %jit3A : f32 to vector<256x256xf32>
      %select_n3A = arith.select %broadcast_in_dim3A_267, %max3A_243, %broadcast_in_dim3A_268 : vector<256x256xi1>, vector<256x256xf32>
      %reduce_max3A = arith.constant dense<0xFF800000> : vector<256xf32>
      %reduce_max3A_269 = vector.multi_reduction <maximumf>, %select_n3A, %reduce_max3A [0] : vector<256x256xf32> to vector<256xf32>
      %broadcast_in_dim3A_270 = vector.shape_cast %reduce_max3A_269 : vector<256xf32> to vector<1x256xf32>
      %get3A_271 = arith.index_cast %while3A_263 : i32 to index
      %get3A_272 = arith.constant 0 : index
      %get3A_273 = vector.load %arg10[%get3A_271, %get3A_272] : memref<64x256xf32, #tpu.memory_space<vmem>>, vector<1x256xf32>
      %max3A_274 = arith.maximumf %get3A_273, %broadcast_in_dim3A_270 : vector<1x256xf32>
      %swap3A = arith.index_cast %while3A_263 : i32 to index
      %swap3A_275 = arith.constant 0 : index
      %swap3A_276 = vector.load %arg10[%swap3A, %swap3A_275] : memref<64x256xf32, #tpu.memory_space<vmem>>, vector<1x256xf32>
      tpu.vector_store %arg10[%swap3A, %swap3A_275], %max3A_274 {strides = array<i32>} : memref<64x256xf32, #tpu.memory_space<vmem>>, vector<1x256xf32>,
    }
    return
  }
  func.func @transform_0(%arg0: i32) -> (i32, i32) {
    %c0_i32 = arith.constant 0 : i32
    %c0_i32_0 = arith.constant 0 : i32
    %c0_i32_1 = arith.constant 0 : i32
    return %c0_i32, %c0_i32_0 : i32, i32
  }
  func.func @transform_1(%arg0: i32) -> (i32, i32) {
    %c0_i32 = arith.constant 0 : i32
    %c0_i32_0 = arith.constant 0 : i32
    %c0_i32_1 = arith.constant 0 : i32
    return %c0_i32, %c0_i32_0 : i32, i32
  }
  func.func @transform_2(%arg0: i32) -> (i32, i32) {
    %c0_i32 = arith.constant 0 : i32
    %c0_i32_0 = arith.constant 0 : i32
    return %arg0, %c0_i32 : i32, i32
  }
  func.func @transform_3(%arg0: i32) -> (i32, i32, i32, i32) {
    %c0_i32 = arith.constant 0 : i32
    %c0_i32_0 = arith.constant 0 : i32
    %c0_i32_1 = arith.constant 0 : i32
    %c0_i32_2 = arith.constant 0 : i32
    return %c0_i32, %c0_i32_0, %arg0, %c0_i32_1 : i32, i32, i32, i32
  }
  func.func @transform_4(%arg0: i32) -> (i32, i32) {
    %c0_i32 = arith.constant 0 : i32
    %c0_i32_0 = arith.constant 0 : i32
    return %arg0, %c0_i32 : i32, i32
  }
  func.func @transform_5(%arg0: i32) -> (i32, i32) {
    %c0_i32 = arith.constant 0 : i32
    %c0_i32_0 = arith.constant 0 : i32
    %c0_i32_1 = arith.constant 0 : i32
    return %c0_i32, %c0_i32_0 : i32, i32
  }
  func.func @transform_6(%arg0: i32) -> (i32, i32) {
    %c0_i32 = arith.constant 0 : i32
    %c0_i32_0 = arith.constant 0 : i32
    %c0_i32_1 = arith.constant 0 : i32
    return %c0_i32, %c0_i32_0 : i32, i32
  }
  func.func @transform_7(%arg0: i32) -> (i32, i32) {
    %c0_i32 = arith.constant 0 : i32
    %c0_i32_0 = arith.constant 0 : i32
    %c0_i32_1 = arith.constant 0 : i32
    return %c0_i32, %c0_i32_0 : i32, i32
  }
  func.func @transform_8(%arg0: i32) -> (i32, i32) {
    %c0_i32 = arith.constant 0 : i32
    %c0_i32_0 = arith.constant 0 : i32
    %c0_i32_1 = arith.constant 0 : i32
    return %c0_i32, %c0_i32_0 : i32, i32
  }
  func.func @transform_9(%arg0: i32) -> (i32, i32) {
    %c0_i32 = arith.constant 0 : i32
    %c0_i32_0 = arith.constant 0 : i32
    %c0_i32_1 = arith.constant 0 : i32
    return %c0_i32, %c0_i32_0 : i32, i32
  }
}

module attributes {stable_mosaic.version = 14 : i64} {
  func.func @_head_body(%arg0: memref<64x256xf32, #tpu.memory_space<vmem>>, %arg1: memref<256x256xf32, #tpu.memory_space<vmem>>, %arg2: memref<1x256xf32, #tpu.memory_space<vmem>>, %arg3: memref<256x256xf32, #tpu.memory_space<vmem>>, %arg4: memref<1x256xf32, #tpu.memory_space<vmem>>, %arg5: memref<64x256xf32, #tpu.memory_space<vmem>>) attributes {dimension_semantics = [], scalar_prefetch = 0 : i64, scratch_operands = 0 : i64, tpu.core_type = #tpu.core_type<tc>} {
    %get3A = arith.constant 0 : index
    %get3A_0 = arith.constant 0 : index
    %get3A_1 = vector.load %arg0[%get3A, %get3A_0] : memref<64x256xf32, #tpu.memory_space<vmem>>, vector<64x256xf32>
    %max3A = arith.constant 0.000000e+00 : f32
    %max3A_2 = vector.broadcast %max3A : f32 to vector<64x256xf32>
    %max3A_3 = arith.maximumf %get3A_1, %max3A_2 : vector<64x256xf32>
    %get3A_4 = arith.constant 0 : index
    %get3A_5 = arith.constant 0 : index
    %get3A_6 = vector.load %arg1[%get3A_4, %get3A_5] : memref<256x256xf32, #tpu.memory_space<vmem>>, vector<256x256xf32>
    %dot_general3A = arith.constant dense<0.000000e+00> : vector<64x256xf32>
    %dot_general3A_7 = tpu.matmul %max3A_3, %get3A_6, %dot_general3A {dimension_numbers = #tpu.dot_dimension_numbers<[1], [0], [0], [1], [0, 0, 1, 1], [], []>, transpose_lhs_hint = false} : vector<64x256xf32>, vector<256x256xf32>, vector<64x256xf32> -> vector<64x256xf32>
    %get3A_8 = arith.constant 0 : index
    %get3A_9 = arith.constant 0 : index
    %get3A_10 = vector.load %arg2[%get3A_8, %get3A_9] : memref<1x256xf32, #tpu.memory_space<vmem>>, vector<1x256xf32>
    %add3A = vector.broadcast %get3A_10 : vector<1x256xf32> to vector<64x256xf32>
    %add3A_11 = arith.addf %dot_general3A_7, %add3A : vector<64x256xf32>
    %max3A_12 = arith.constant 0.000000e+00 : f32
    %max3A_13 = vector.broadcast %max3A_12 : f32 to vector<64x256xf32>
    %max3A_14 = arith.maximumf %add3A_11, %max3A_13 : vector<64x256xf32>
    %get3A_15 = arith.constant 0 : index
    %get3A_16 = arith.constant 0 : index
    %get3A_17 = vector.load %arg3[%get3A_15, %get3A_16] : memref<256x256xf32, #tpu.memory_space<vmem>>, vector<256x256xf32>
    %dot_general3A_18 = arith.constant dense<0.000000e+00> : vector<64x256xf32>
    %dot_general3A_19 = tpu.matmul %max3A_14, %get3A_17, %dot_general3A_18 {dimension_numbers = #tpu.dot_dimension_numbers<[1], [0], [0], [1], [0, 0, 1, 1], [], []>, transpose_lhs_hint = false} : vector<64x256xf32>, vector<256x256xf32>, vector<64x256xf32> -> vector<64x256xf32>
    %get3A_20 = arith.constant 0 : index
    %get3A_21 = arith.constant 0 : index
    %get3A_22 = vector.load %arg4[%get3A_20, %get3A_21] : memref<1x256xf32, #tpu.memory_space<vmem>>, vector<1x256xf32>
    %add3A_23 = vector.broadcast %get3A_22 : vector<1x256xf32> to vector<64x256xf32>
    %add3A_24 = arith.addf %dot_general3A_19, %add3A_23 : vector<64x256xf32>
    %mul3A = arith.mulf %add3A_24, %add3A_24 : vector<64x256xf32>
    %reduce_sum3A = arith.constant dense<0.000000e+00> : vector<64xf32>
    %reduce_sum3A_25 = vector.multi_reduction <add>, %mul3A, %reduce_sum3A [1] : vector<64x256xf32> to vector<64xf32>
    %broadcast_in_dim3A = vector.shape_cast %reduce_sum3A_25 : vector<64xf32> to vector<64x1xf32>
    %sqrt3A = math.sqrt %broadcast_in_dim3A : vector<64x1xf32>
    %add3A_26 = arith.constant 9.99999996E-13 : f32
    %add3A_27 = vector.broadcast %add3A_26 : f32 to vector<64x1xf32>
    %add3A_28 = arith.addf %sqrt3A, %add3A_27 : vector<64x1xf32>
    %div3A = vector.broadcast %add3A_28 : vector<64x1xf32> to vector<64x256xf32>
    %div3A_29 = arith.divf %add3A_24, %div3A : vector<64x256xf32>
    %swap3A = arith.constant 0 : index
    %swap3A_30 = arith.constant 0 : index
    %swap3A_31 = vector.load %arg5[%swap3A, %swap3A_30] : memref<64x256xf32, #tpu.memory_space<vmem>>, vector<64x256xf32>
    tpu.vector_store %arg5[%swap3A, %swap3A_30], %div3A_29 {strides = array<i32>} : memref<64x256xf32, #tpu.memory_space<vmem>>, vector<64x256xf32>,
    return
  }
}

</mosaic_0001>

<sc_bundles>
// kernel: kernel.7.cloned.1.call-start
scs
__scs_entry_jumppad:
0x0: {  	(pc) =	sbr.rel $0x88, $3  }
0x1: {  	(tag) =	ssettag $0x0;
	lr =	simm.s32 $0x1  }
0x2: {  	[smem:$0x3F93] =	sst lr;
	_ =	strace $0xD0000000  }
0x3: {  	_ = 	snop  }
0x4: {  	_ = 	snop  }
0x5: {  	_ = 	snop  }
0x6: {  	_ = 	snop  }
0x7: {  	_ = 	snop  }
__scs_overlays_trampoline_lowered:
0x8: {  	[smem:$0x3FA2] =	sst s0  }
0x9: {  	[smem:$0x3FA3] =	sst s1  }
0xa: {  	[smem:$0x3FA4] =	sst s2  }
0xb: {  	[smem:$0x3FA5] =	sst s3  }
0xc: {  	[smem:$0x3FA6] =	sst s4  }
0xd: {  	[smem:$0x3FA7] =	sst s5  }
0xe: {  	[smem:$0x3FA8] =	sst s6  }
0xf: {  	[smem:$0x3FA9] =	sst s7  }
0x10: {  	[smem:$0x3FAA] =	sst s8  }
0x11: {  	[smem:$0x3FAB] =	sst s9;
	s0 =	simm.s32 @!p0 $0x0  }
0x12: {  	s1 =	sld [smem:$0x3F91];
	s0 =	simm.s32 @p0 $0x1  }
0x13: {  	[smem:$0x3FAC] =	sst s0;
	s0 =	simm.s32 @!p1 $0x0  }
0x14: {  	s2 =	sld [smem:$0x3F90];
	s0 =	simm.s32 @p1 $0x1  }
0x15: {  	[smem:$0x3FAD] =	sst s0;
	s0 =	simm.s32 @!p2 $0x0  }
0x16: {  	s3 =	sld [smem:$0x3FDB];
	s0 =	simm.s32 @p2 $0x1  }
0x17: {  	s4 =	simm.s32 $0x1BF5;
	[smem:$0x3FAF] =	sst s0  }
0x18: {  	s0 =	sld [smem:$0x3F92];
	_ =	swait.ge [sflag:s4], $0x0  }
0x19: {  	s7 =	sld [smem:$0x3F93]  }
0x1a: {  	s8 =	sadd.s32 $0xFFFFE003, lr  }
0x1b: {  	s9 =	sadd.s32 $0xFFFFFEF7, lr;
	s5 =	simm.s32 $0xFFFFFFFF;
	p2 =	slt.u32 s8, $0xFFFFF086  }
0x1c: {  	p1 =	slt.u32 s9, $0xF7A;
	s5 =	simm.s32 @!p2 $0x0  }
0x1d: {  	s5 =	simm.s32 @p1 $0x1;
	p0 =	seq.s32 s7, s2  }
0x1e: {  	s7 =	smul.u32 @!p0 $0xF7A, s2;
	p2 =	seq.s32 @!p0 s5, $0x0  }
0x1f: {  	s9 =	smul.u32 $0xF7A, s1;
	s8 =	simm.s32 @!p0 $0x1BF5;
	p2 =	por !p2, p0  }
0x20: {  	[sflag:s8] =	ssyncset.s32 @!p0 $0xFFFFF086;
	s6 =	sadd.s32 @!p0 s3, s7;
	s7 =	simm.s32 @!p0 $0x108  }
0x21: {  	s3 =	sadd.s32 s3, s9;
	s6 =	sadd.s32 @!p0 $0x88, s6;
	s7 =	simm.s32 @p2 $0x1082  }
0x22: {  	[simem:s7], [sflag:s8] =	dma.local @!p0 [hbm:s6], $0xF7A  }
0x23: {  	s9 =	sor.u32 $0xD0000000, s2;
	s6 =	simm.s32 $0x108;
	_ =	swait.ge @!p0 [sflag:s8], $0x0  }
0x24: {  	s3 =	sadd.s32 $0x88, s3;
	s6 =	simm.s32 @!p1 $0x1082;
	[sflag:s4] =	ssyncset.s32 $0xFFFFF086  }
0x25: {  	[simem:s6], [sflag:s4] =	dma.local [hbm:s3], $0xF7A  }
0x26: {  	[smem:$0x3F93] =	sst s1;
	(tag) =	ssettag s2;
	_ =	strace s9  }
0x27: {  	s1 =	sld [smem:$0x3FA3]  }
0x28: {  	s2 =	sld [smem:$0x3FA4]  }
0x29: {  	s4 =	sld [smem:$0x3FA6]  }
0x2a: {  	p0 =	seq.s32 s5, $0x0;
	s5 =	sld [smem:$0x3FA7]  }
0x2b: {  	s6 =	sld [smem:$0x3FA8]  }
0x2c: {  	s7 =	sld [smem:$0x3FA9]  }
0x2d: {  	s3 =	simm.s32 $0x108;
	s8 =	sld [smem:$0x3FAA]  }
0x2e: {  	s3 =	simm.s32 @!p0 $0x1082;
	s9 =	sld [smem:$0x3FAB]  }
0x2f: {  	lr =	sadd.s32 s0, s3;
	s0 =	sld [smem:$0x3FA2]  }
0x30: {  	s3 =	sld [smem:$0x3FA5]  }
0x31: {  	[smem:$0x3FAE] =	sst s10  }
0x32: {  	s10 =	sld [smem:$0x3FAC];
	_ =	sdelay $0x3  }
0x33: {  	p0 =	seq.s32 s10, $0x1;
	s10 =	sld [smem:$0x3FAE];
	_ =	sdelay $0x3  }
0x34: {  	[smem:$0x3FAE] =	sst s10  }
0x35: {  	s10 =	sld [smem:$0x3FAD];
	_ =	sdelay $0x3  }
0x36: {  	p1 =	seq.s32 s10, $0x1;
	s10 =	sld [smem:$0x3FAE];
	_ =	sdelay $0x3  }
0x37: {  	[smem:$0x3FAE] =	sst s10  }
0x38: {  	s10 =	sld [smem:$0x3FAF]  }
0x39: {  	_ = 	snop;
	(pc) =	sbr.ind lr, $3  }
0x3a: {  	_ = 	snop  }
0x3b: {  	_ = 	snop  }
0x3c: {  	p2 =	seq.s32 s10, $0x1;
	s10 =	sld [smem:$0x3FAE]  }
0x3d: {  	_ =	shalt  }
0x3e: {  	_ =	shalt  }
0x3f: {  	_ =	shalt  }
0x40: {  	_ =	shalt  }
0x41: {  	_ =	shalt  }
0x42: {  	_ =	shalt  }
0x43: {  	_ =	shalt  }
0x44: {  	_ =	shalt  }
0x45: {  	_ =	shalt  }
0x46: {  	_ =	shalt  }
0x47: {  	_ =	shalt  }
0x48: {  	_ =	shalt  }
0x49: {  	_ =	shalt  }
0x4a: {  	_ =	shalt  }
0x4b: {  	_ =	shalt  }
0x4c: {  	_ =	shalt  }
0x4d: {  	_ =	shalt  }
0x4e: {  	_ =	shalt  }
0x4f: {  	_ =	shalt  }
0x50: {  	_ =	shalt  }
0x51: {  	_ =	shalt  }
0x52: {  	_ =	shalt  }
0x53: {  	_ =	shalt  }
0x54: {  	_ =	shalt  }
0x55: {  	_ =	shalt  }
0x56: {  	_ =	shalt  }
0x57: {  	_ =	shalt  }
0x58: {  	_ =	shalt  }
0x59: {  	_ =	shalt  }
0x5a: {  	_ =	shalt  }
0x5b: {  	_ =	shalt  }
0x5c: {  	_ =	shalt  }
0x5d: {  	_ =	shalt  }
0x5e: {  	_ =	shalt  }
0x5f: {  	_ =	shalt  }
0x60: {  	_ =	shalt  }
0x61: {  	_ =	shalt  }
0x62: {  	_ =	shalt  }
0x63: {  	_ =	shalt  }
0x64: {  	_ =	shalt  }
0x65: {  	_ =	shalt  }
0x66: {  	_ =	shalt  }
0x67: {  	_ =	shalt  }
0x68: {  	_ =	shalt  }
0x69: {  	_ =	shalt  }
0x6a: {  	_ =	shalt  }
0x6b: {  	_ =	shalt  }
0x6c: {  	_ =	shalt  }
0x6d: {  	_ =	shalt  }
0x6e: {  	_ =	shalt  }
0x6f: {  	_ =	shalt  }
0x70: {  	_ =	shalt  }
0x71: {  	_ =	shalt  }
0x72: {  	_ =	shalt  }
0x73: {  	_ =	shalt  }
0x74: {  	_ =	shalt  }
0x75: {  	_ =	shalt  }
0x76: {  	_ =	shalt  }
0x77: {  	_ =	shalt  }
0x78: {  	_ =	shalt  }
0x79: {  	_ =	shalt  }
0x7a: {  	_ =	shalt  }
0x7b: {  	_ =	shalt  }
0x7c: {  	_ =	shalt  }
0x7d: {  	_ =	shalt  }
0x7e: {  	_ =	shalt  }
0x7f: {  	_ =	shalt  }
0x80: {  	_ =	shalt  }
0x81: {  	_ =	shalt  }
0x82: {  	_ =	shalt  }
0x83: {  	_ =	shalt  }
0x84: {  	_ =	shalt  }
0x85: {  	_ =	shalt  }
0x86: {  	_ =	shalt  }
0x87: {  	_ =	shalt  }
.Lfunc_end0:
.L_simem_size_0:
called_computation_lowered:
.L_overlay_start_0:
0x88: {  	s2 =	sld [smem:$0x3FD9]  }
0x89: {  	s3 =	sld [smem:$0x3FFE];
	_ =	sdelay $0x1  }
0x8a: {  	s1 =	srdreg.scid  }
0x8b: {  	s0 =	sand.u32 $0x1, s1  }
0x8c: {  	s16 =	sshll.u32 s0, $0xA;
	s2 =	sadd.s32 s3, s2  }
0x8d: {  	s2 =	sadd.s32 s2, s16  }
0x8e: {  	[smem:$0x3FBA] =	sst s2  }
0x8f: {  	_ = 	snop  }
0x90: {  	(tm) =	ssettm $0x1  }
0x91: {  	s17 =	sld [smem:$0x3FFB];
	_ =	sdelay $0x3  }
0x92: {  	_ =	strace s17  }
0x93: {  	s2 =	sld [smem:$0x3FFC];
	_ =	sdelay $0x3  }
0x94: {  	_ =	strace s2  }
0x95: {  	s2 =	sld [smem:$0x3FFD];
	_ =	sdelay $0x3  }
0x96: {  	_ =	strace s2  }
0x97: {  	_ =	strace $0x8FFFFFFF  }
0x98: {  	s18 =	sld [smem:$0x3FDB];
	_ =	sdelay $0x1  }
0x99: {  	s19 =	simm.s32 $_scs_section_size  }
0x9a: {  	s4 =	simm.s32 $_size__tile_overlayer_lowered;
	s5 =	simm.s32 $_tile_overlayer_lowered  }
0x9b: {  	s22 =	simm.s32 $0x1BFF;
	s21 =	sshll.u32 s5, $0x1;
	s2 =	sadd.s32 s19, s18  }
0x9c: {  	s6 =	simm.s32 $0x0;
	s20 =	sshll.u32 s4, $0x1;
	s4 =	sadd.s32 s21, s2  }
0x9d: {  	[timem:s6], [sflag:s22] =	dma.local [hbm:s4], s20  }
0x9e: {  	_ =	swait.ge [sflag:s22], s20  }
0x9f: {  	s3 =	ssub.s32 $0x0, s20;
	[sflag:s22] =	ssyncset.done $0x0  }
0xa0: {  	[sflag:s22] =	ssyncadd.s32 s3;
	_ =	sdelay $0x1  }
0xa1: {  	s23 =	simm.s32 $0x1B8B  }
0xa2: {  	_ =	swait.ge [sflag:s23], $0x1  }
0xa3: {  	[sflag:s23] =	ssyncset.done $0x0  }
0xa4: {  	s25 =	simm.s32 $0x1B8E;
	s24 =	sld [smem:$0x3FFE];
	[sflag:s23] =	ssyncadd.s32 $0xFFFFFFFF  }
0xa5: {  	s26 =	simm.s32 $execute0_lowered;
	[smem:$0x3FD2] =	sst s25  }
0xa6: {  	s4 =	sshll.u32 s26, $0x1;
	_ =	strace $0x80000046;
	[dreg:$0x1] =	wrdreg $0xFFFFFFFF  }
0xa7: {  	s28 =	simm.s32 $_size_execute0_lowered;
	s2 =	sadd.s32 s2, s4;
	[dreg:$0x0] =	wrdreg $0x0  }
0xa8: {  	s4 =	sshll.u32 s28, $0x1;
	[dreg:$0x2] =	wrdreg s2  }
0xa9: {  	[dreg:$0x3] =	wrdreg s4  }
0xaa: {  	[dreg:$0x4] =	wrdreg $0xC0  }
0xab: {  	_ =	task [dreg:s6], $0x5FFFF  }
0xac: {  	[dreg:$0x1] =	wrdreg $0xFFFFFFFF  }
0xad: {  	[dreg:$0x0] =	wrdreg $0x60  }
0xae: {  	[dreg:$0x2] =	wrdreg s24  }
0xaf: {  	[dreg:$0x3] =	wrdreg $0x9  }
0xb0: {  	_ =	task.clear_ibuf [dreg:s6], $0x4FFFF;
	_ =	strace $0x90000046  }
0xb1: {  	s29 =	simm.s32 $0x9;
	_ =	strace $0x80000048  }
0xb2: {  	_ =	swait.ge [sflag:s29], $0x1  }
0xb3: {  	[sflag:s29] =	ssyncadd.s32 $0xFFFFFFFF  }
0xb4: {  	_ =	strace $0x90000048  }
0xb5: {  	_ =	sfence  }
0xb6: {  	s30 =	sld [smem:$0x0];
	_ =	sdelay $0x2  }
0xb7: {  	s31 =	sshll.u32 s1, $0xD;
	s1 =	sshrl.u32 s1, $0x2  }
0xb8: {  	s3 =	sand.u32 $0x4000, s31;
	s1 =	sadd.s32 s1, s30  }
0xb9: {  	s0 =	sor.u32 s3, s0;
	s1 =	sshll.u32 s1, $0x11  }
0xba: {  	s0 =	sor.u32 s1, s0  }
0xbb: {  	s0 =	sadd.s32 $0x8F2B, s0  }
0xbc: {  	[sflag:s0] =	ssyncadd.remote.s32 $0x1  }
0xbd: {  	_ =	sfence.sel $0xFFFF  }
0xbe: {  	[dreg:$0x0] =	wrdreg $0xFFFFFFFF;
	(pc) =	sbr.abs _section_cstart, $3  }
0xbf: {  	[dreg:$0x1] =	wrdreg $0xFFFFFFFF  }
0xc0: {  	_ =	task.clear_ibuf [dreg:s6], $0x2FFFF;
	_ =	strace $0x9FFFFFFF  }
0xc1: {  	(tm) =	ssettm $0x7FFFFFFF  }
tec
execute0_lowered:
.L_overlay_start_1:
0x0: {  	(tag) =	ssettag $0x1  }
0x1: {  	s1 =	srdreg.scid  }
0x2: {  	s0 =	stileid.u32;
	s1 =	sand.u32 $0x1, s1  }
0x3: {  	s2 =	sshll.u32 s0, $0xD;
	s3 =	sshll.u32 s1, $0xC  }
0x4: {  	s3 =	sor.u32 s3, s2  }
0x5: {  	s4 =	rddreg [dreg:$0x0];
	s5 =	sshrl.u32 s3, $0x3  }
0x6: {  	s2 =	simm.s32 $0x0;
	s3 =	sshll.u32 s3, $0x4;
	s5 =	sadd.s32 s5, s4  }
0x7: {  	[smem:$0x7FF] =	sst s2;
	s31 =	sadd.s32 s3, s4;
	s15 =	sadd.s32 $0x82400, s5  }
0x8: {  	_ =	strace $0x80000047;
	s16 =	sadd.s32 $0x86400, s31;
	[dreg:$0x2] =	wrdreg s15  }
0x9: {  	s17 =	sadd.s32 $0x87400, s31;
	[dreg:$0x3] =	wrdreg s16  }
0xa: {  	s18 =	sadd.s32 $0x88400, s31;
	[dreg:$0x4] =	wrdreg s17  }
0xb: {  	s19 =	sadd.s32 $0x89400, s31;
	[dreg:$0x5] =	wrdreg s18  }
0xc: {  	s20 =	sadd.s32 $0x8A400, s31;
	[dreg:$0x6] =	wrdreg s19  }
0xd: {  	s21 =	sadd.s32 $0x8B400, s31;
	[dreg:$0x7] =	wrdreg s20  }
0xe: {  	s22 =	sadd.s32 $0x8C400, s31;
	[dreg:$0x8] =	wrdreg s21  }
0xf: {  	s23 =	sadd.s32 $0x8D400, s31;
	[dreg:$0x9] =	wrdreg s22  }
0x10: {  	s24 =	sadd.s32 $0x8E400, s31;
	[dreg:$0xa] =	wrdreg s23  }
0x11: {  	s26 =	sadd.s32 $0x8F400, s31;
	[dreg:$0xb] =	wrdreg s24  }
0x12: {  	[dreg:$0xc] =	wrdreg s26  }
0x13: {  	s3 =	simm.s32 $0x3;
	s25 =	rddreg [dreg:$0x2]  }
0x14: {  	[tilespmem:s2], [sflag:$0x3] =	stream.linear.gather [hbm4b:s25+s2], $0x1000, $0x38;
	[tilespmem:$0x19000] =	vst v63  }
0x15: {  	_ =	swait.ge [sflag:s3], $0x1000  }
0x16: {  	s6 =	simm.s32 $0x1000;
	[sflag:s3] =	ssyncset.done $0x0  }
0x17: {  	s4 =	sadd.s32 $0x2400, s4;
	s5 =	simm.s32 $0x100;
	[sflag:s3] =	ssyncadd.s32 $0xFFFFF000  }
0x18: {  	[tilespmem:s6], [sflag:$0x1] =	stream.indirect.gather [hbm4b:s4+s5], $0x80, s2, s5, $0xb8;
	[tilespmem:$0x19000] =	vst v63  }
0x19: {  	s7 =	simm.s32 $0x9000  }
0x1a: {  	[tilespmem:s7], [sflag:$0x1] =	stream.indirect.gather [hbm4b:s4+s5], $0x80, s5, s5, $0xb8;
	[tilespmem:$0x19000] =	vst v63  }
0x1b: {  	s8 =	simm.s32 $0x200;
	s9 =	simm.s32 $0x11000;
	s10 =	simm.s32 $0x1  }
0x1c: {  	[tilespmem:s9], [sflag:$0x1] =	stream.indirect.gather [hbm4b:s4+s5], $0x80, s8, s5, $0xb8;
	[tilespmem:$0x19000] =	vst v63  }
0x1d: {  	_ =	swait.ge [sflag:s10], $0x8000  }
0x1e: {  	[sflag:s10] =	ssyncset.done $0x0  }
0x1f: {  	s11 =	simm.s32 $0x2;
	s12 =	rddreg [dreg:$0x3];
	[sflag:s10] =	ssyncadd.s32 $0xFFFF8000  }
0x20: {  	[hbm4b:s12+s2] =	stream.linear.scatter [tilespmem:s6], [sflag:$0x2], $0x8000, $0x38;
	[tilespmem:$0x19000] =	vst v63  }
0x21: {  	_ =	swait.ge [sflag:s11], $0x8000  }
0x22: {  	[sflag:s11] =	ssyncset.done $0x0  }
0x23: {  	s12 =	simm.s32 $0x300;
	[sflag:s11] =	ssyncadd.s32 $0xFFFF8000  }
0x24: {  	[tilespmem:s6], [sflag:$0x1] =	stream.indirect.gather [hbm4b:s4+s5], $0x80, s12, s5, $0xb8;
	[tilespmem:$0x19000] =	vst v63  }
0x25: {  	_ =	swait.ge [sflag:s10], $0x8000  }
0x26: {  	[sflag:s10] =	ssyncset.done $0x0  }
0x27: {  	s13 =	rddreg [dreg:$0x4];
	[sflag:s10] =	ssyncadd.s32 $0xFFFF8000  }
0x28: {  	[hbm4b:s13+s2] =	stream.linear.scatter [tilespmem:s7], [sflag:$0x2], $0x8000, $0x38;
	[tilespmem:$0x19000] =	vst v63  }
0x29: {  	_ =	swait.ge [sflag:s11], $0x8000  }
0x2a: {  	[sflag:s11] =	ssyncset.done $0x0  }
0x2b: {  	s13 =	simm.s32 $0x400;
	[sflag:s11] =	ssyncadd.s32 $0xFFFF8000  }
0x2c: {  	[tilespmem:s7], [sflag:$0x1] =	stream.indirect.gather [hbm4b:s4+s5], $0x80, s13, s5, $0xb8;
	[tilespmem:$0x19000] =	vst v63  }
0x2d: {  	_ =	swait.ge [sflag:s10], $0x8000  }
0x2e: {  	[sflag:s10] =	ssyncset.done $0x0  }
0x2f: {  	s14 =	rddreg [dreg:$0x5];
	[sflag:s10] =	ssyncadd.s32 $0xFFFF8000  }
0x30: {  	[hbm4b:s14+s2] =	stream.linear.scatter [tilespmem:s9], [sflag:$0x2], $0x8000, $0x38;
	[tilespmem:$0x19000] =	vst v63  }
0x31: {  	_ =	swait.ge [sflag:s11], $0x8000  }
0x32: {  	[sflag:s11] =	ssyncset.done $0x0  }
0x33: {  	s14 =	simm.s32 $0x500;
	[sflag:s11] =	ssyncadd.s32 $0xFFFF8000  }
0x34: {  	[tilespmem:s9], [sflag:$0x1] =	stream.indirect.gather [hbm4b:s4+s5], $0x80, s14, s5, $0xb8;
	[tilespmem:$0x19000] =	vst v63  }
0x35: {  	_ =	swait.ge [sflag:s10], $0x8000  }
0x36: {  	[sflag:s10] =	ssyncset.done $0x0  }
0x37: {  	s15 =	rddreg [dreg:$0x6];
	[sflag:s10] =	ssyncadd.s32 $0xFFFF8000  }
0x38: {  	[hbm4b:s15+s2] =	stream.linear.scatter [tilespmem:s6], [sflag:$0x2], $0x8000, $0x38;
	[tilespmem:$0x19000] =	vst v63  }
0x39: {  	_ =	swait.ge [sflag:s11], $0x8000  }
0x3a: {  	[sflag:s11] =	ssyncset.done $0x0  }
0x3b: {  	s15 =	simm.s32 $0x600;
	[sflag:s11] =	ssyncadd.s32 $0xFFFF8000  }
0x3c: {  	[tilespmem:s6], [sflag:$0x1] =	stream.indirect.gather [hbm4b:s4+s5], $0x80, s15, s5, $0xb8;
	[tilespmem:$0x19000] =	vst v63  }
0x3d: {  	_ =	swait.ge [sflag:s10], $0x8000  }
0x3e: {  	[sflag:s10] =	ssyncset.done $0x0  }
0x3f: {  	s16 =	rddreg [dreg:$0x7];
	[sflag:s10] =	ssyncadd.s32 $0xFFFF8000  }
0x40: {  	[hbm4b:s16+s2] =	stream.linear.scatter [tilespmem:s7], [sflag:$0x2], $0x8000, $0x38;
	[tilespmem:$0x19000] =	vst v63  }
0x41: {  	_ =	swait.ge [sflag:s11], $0x8000  }
0x42: {  	[sflag:s11] =	ssyncset.done $0x0  }
0x43: {  	s16 =	simm.s32 $0x700;
	[sflag:s11] =	ssyncadd.s32 $0xFFFF8000  }
0x44: {  	[tilespmem:s7], [sflag:$0x1] =	stream.indirect.gather [hbm4b:s4+s5], $0x80, s16, s5, $0xb8;
	[tilespmem:$0x19000] =	vst v63  }
0x45: {  	_ =	swait.ge [sflag:s10], $0x8000  }
0x46: {  	[sflag:s10] =	ssyncset.done $0x0  }
0x47: {  	s17 =	rddreg [dreg:$0x8];
	[sflag:s10] =	ssyncadd.s32 $0xFFFF8000  }
0x48: {  	[hbm4b:s17+s2] =	stream.linear.scatter [tilespmem:s9], [sflag:$0x2], $0x8000, $0x38;
	[tilespmem:$0x19000] =	vst v63  }
0x49: {  	_ =	swait.ge [sflag:s11], $0x8000  }
0x4a: {  	[sflag:s11] =	ssyncset.done $0x0  }
0x4b: {  	s17 =	simm.s32 $0x800;
	[sflag:s11] =	ssyncadd.s32 $0xFFFF8000  }
0x4c: {  	[tilespmem:s9], [sflag:$0x1] =	stream.indirect.gather [hbm4b:s4+s5], $0x80, s17, s5, $0xb8;
	[tilespmem:$0x19000] =	vst v63  }
0x4d: {  	_ =	swait.ge [sflag:s10], $0x8000  }
0x4e: {  	[sflag:s10] =	ssyncset.done $0x0  }
0x4f: {  	s18 =	rddreg [dreg:$0x9];
	[sflag:s10] =	ssyncadd.s32 $0xFFFF8000  }
0x50: {  	[hbm4b:s18+s2] =	stream.linear.scatter [tilespmem:s6], [sflag:$0x2], $0x8000, $0x38;
	[tilespmem:$0x19000] =	vst v63  }
0x51: {  	_ =	swait.ge [sflag:s11], $0x8000  }
0x52: {  	[sflag:s11] =	ssyncset.done $0x0  }
0x53: {  	s18 =	simm.s32 $0x900;
	[sflag:s11] =	ssyncadd.s32 $0xFFFF8000  }
0x54: {  	[tilespmem:s6], [sflag:$0x1] =	stream.indirect.gather [hbm4b:s4+s5], $0x80, s18, s5, $0xb8;
	[tilespmem:$0x19000] =	vst v63  }
0x55: {  	_ =	swait.ge [sflag:s10], $0x8000  }
0x56: {  	[sflag:s10] =	ssyncset.done $0x0  }
0x57: {  	s19 =	rddreg [dreg:$0xa];
	[sflag:s10] =	ssyncadd.s32 $0xFFFF8000  }
0x58: {  	[hbm4b:s19+s2] =	stream.linear.scatter [tilespmem:s7], [sflag:$0x2], $0x8000, $0x38;
	[tilespmem:$0x19000] =	vst v63  }
0x59: {  	_ =	swait.ge [sflag:s11], $0x8000  }
0x5a: {  	[sflag:s11] =	ssyncset.done $0x0  }
0x5b: {  	s19 =	simm.s32 $0xA00;
	[sflag:s11] =	ssyncadd.s32 $0xFFFF8000  }
0x5c: {  	[tilespmem:s7], [sflag:$0x1] =	stream.indirect.gather [hbm4b:s4+s5], $0x80, s19, s5, $0xb8;
	[tilespmem:$0x19000] =	vst v63  }
0x5d: {  	_ =	swait.ge [sflag:s10], $0x8000  }
0x5e: {  	[sflag:s10] =	ssyncset.done $0x0  }
0x5f: {  	s20 =	rddreg [dreg:$0xb];
	[sflag:s10] =	ssyncadd.s32 $0xFFFF8000  }
0x60: {  	[hbm4b:s20+s2] =	stream.linear.scatter [tilespmem:s9], [sflag:$0x2], $0x8000, $0x38;
	[tilespmem:$0x19000] =	vst v63  }
0x61: {  	_ =	swait.ge [sflag:s11], $0x8000  }
0x62: {  	[sflag:s11] =	ssyncset.done $0x0  }
0x63: {  	s20 =	simm.s32 $0xB00;
	[sflag:s11] =	ssyncadd.s32 $0xFFFF8000  }
0x64: {  	[tilespmem:s9], [sflag:$0x1] =	stream.indirect.gather [hbm4b:s4+s5], $0x80, s20, s5, $0xb8;
	[tilespmem:$0x19000] =	vst v63  }
0x65: {  	_ =	swait.ge [sflag:s10], $0x8000  }
0x66: {  	[sflag:s10] =	ssyncset.done $0x0  }
0x67: {  	s21 =	rddreg [dreg:$0xc];
	[sflag:s10] =	ssyncadd.s32 $0xFFFF8000  }
0x68: {  	[hbm4b:s21+s2] =	stream.linear.scatter [tilespmem:s6], [sflag:$0x2], $0x8000, $0x38;
	[tilespmem:$0x19000] =	vst v63  }
0x69: {  	_ =	swait.ge [sflag:s11], $0x8000  }
0x6a: {  	[sflag:s11] =	ssyncset.done $0x0  }
0x6b: {  	s21 =	simm.s32 $0xC00;
	[sflag:s11] =	ssyncadd.s32 $0xFFFF8000  }
0x6c: {  	[tilespmem:s6], [sflag:$0x1] =	stream.indirect.gather [hbm4b:s4+s5], $0x80, s21, s5, $0xb8;
	[tilespmem:$0x19000] =	vst v63  }
0x6d: {  	_ =	swait.ge [sflag:s10], $0x8000  }
0x6e: {  	[sflag:s10] =	ssyncset.done $0x0  }
0x6f: {  	s22 =	sadd.s32 $0x90400, s31;
	[sflag:s10] =	ssyncadd.s32 $0xFFFF8000  }
0x70: {  	[hbm4b:s22+s2] =	stream.linear.scatter [tilespmem:s7], [sflag:$0x2], $0x8000, $0x38;
	[tilespmem:$0x19000] =	vst v63  }
0x71: {  	_ =	swait.ge [sflag:s11], $0x8000  }
0x72: {  	[sflag:s11] =	ssyncset.done $0x0  }
0x73: {  	s23 =	simm.s32 $0xD00;
	[sflag:s11] =	ssyncadd.s32 $0xFFFF8000  }
0x74: {  	[tilespmem:s7], [sflag:$0x1] =	stream.indirect.gather [hbm4b:s4+s5], $0x80, s23, s5, $0xb8;
	[tilespmem:$0x19000] =	vst v63  }
0x75: {  	_ =	swait.ge [sflag:s10], $0x8000  }
0x76: {  	[sflag:s10] =	ssyncset.done $0x0  }
0x77: {  	s24 =	sadd.s32 $0x91400, s31;
	[sflag:s10] =	ssyncadd.s32 $0xFFFF8000  }
0x78: {  	[hbm4b:s24+s2] =	stream.linear.scatter [tilespmem:s9], [sflag:$0x2], $0x8000, $0x38;
	[tilespmem:$0x19000] =	vst v63  }
0x79: {  	_ =	swait.ge [sflag:s11], $0x8000  }
0x7a: {  	[sflag:s11] =	ssyncset.done $0x0  }
0x7b: {  	s25 =	simm.s32 $0xE00;
	[sflag:s11] =	ssyncadd.s32 $0xFFFF8000  }
0x7c: {  	[tilespmem:s9], [sflag:$0x1] =	stream.indirect.gather [hbm4b:s4+s5], $0x80, s25, s5, $0xb8;
	[tilespmem:$0x19000] =	vst v63  }
0x7d: {  	_ =	swait.ge [sflag:s10], $0x8000  }
0x7e: {  	[sflag:s10] =	ssyncset.done $0x0  }
0x7f: {  	s26 =	sadd.s32 $0x92400, s31;
	[sflag:s10] =	ssyncadd.s32 $0xFFFF8000  }
0x80: {  	[hbm4b:s26+s2] =	stream.linear.scatter [tilespmem:s6], [sflag:$0x2], $0x8000, $0x38;
	[tilespmem:$0x19000] =	vst v63  }
0x81: {  	_ =	swait.ge [sflag:s11], $0x8000  }
0x82: {  	[sflag:s11] =	ssyncset.done $0x0  }
0x83: {  	s28 =	simm.s32 $0xF00;
	[sflag:s11] =	ssyncadd.s32 $0xFFFF8000  }
0x84: {  	[tilespmem:s6], [sflag:$0x1] =	stream.indirect.gather [hbm4b:s4+s5], $0x80, s28, s5, $0xb8;
	[tilespmem:$0x19000] =	vst v63  }
0x85: {  	_ =	swait.ge [sflag:s10], $0x8000  }
0x86: {  	[sflag:s10] =	ssyncset.done $0x0  }
0x87: {  	s29 =	sadd.s32 $0x93400, s31;
	[sflag:s10] =	ssyncadd.s32 $0xFFFF8000  }
0x88: {  	[hbm4b:s29+s2] =	stream.linear.scatter [tilespmem:s7], [sflag:$0x2], $0x8000, $0x38;
	[tilespmem:$0x19000] =	vst v63  }
0x89: {  	_ =	swait.ge [sflag:s10], $0x8000  }
0x8a: {  	[sflag:s10] =	ssyncset.done $0x0  }
0x8b: {  	s30 =	sadd.s32 $0x94400, s31;
	[sflag:s10] =	ssyncadd.s32 $0xFFFF8000  }
0x8c: {  	[hbm4b:s30+s2] =	stream.linear.scatter [tilespmem:s9], [sflag:$0x2], $0x8000, $0x38;
	[tilespmem:$0x19000] =	vst v63  }
0x8d: {  	s1 =	ssub.s32 $0x2, s1;
	_ =	swait.ge [sflag:s10], $0x8000  }
0x8e: {  	s0 =	sshrl.u32 s1, $0x1;
	[sflag:s10] =	ssyncset.done $0x0  }
0x8f: {  	s0 =	ssub.s32 s1, s0;
	s31 =	sadd.s32 $0x95400, s31;
	[sflag:s10] =	ssyncadd.s32 $0xFFFF8000  }
0x90: {  	[hbm4b:s31+s2] =	stream.linear.scatter [tilespmem:s6], [sflag:$0x2], $0x8000, $0x38;
	[tilespmem:$0x19000] =	vst v63  }
0x91: {  	s0 =	smax.u32 s0, $0x1;
	_ =	swait.ge [sflag:s11], $0x8000  }
0x92: {  	p0 =	sne.s32 s0, $0x1;
	[sflag:s11] =	ssyncset.done $0x0  }
.Ltmp0:
0x93: {  	[sflag:s11] =	ssyncadd.s32 $0xFFFF8000;
	(pc) =	sbr.rel @!p0 .LBB2_2-.Ltmp0, $4  }
0x94: {  	_ =	swait.ge [sflag:s11], $0x8000  }
0x95: {  	[sflag:s11] =	ssyncset.done $0x0  }
0x96: {  	[sflag:s11] =	ssyncadd.s32 $0xFFFF8000  }
0x97: {  	s1 =	sadd.s32 $0xFFFFFFFF, s0;
	_ =	swait.ge [sflag:s11], $0x8000  }
.LBB2_1:
0x98: {  	[sflag:s11] =	ssyncset.done $0x0  }
0x99: {  	s0 =	rddreg [dreg:$0x2];
	[sflag:s11] =	ssyncadd.s32 $0xFFFF8000  }
0x9a: {  	[tilespmem:s2], [sflag:$0x3] =	stream.linear.gather [hbm4b:s0+s2], $0x1000, $0x38;
	[tilespmem:$0x19000] =	vst v63  }
0x9b: {  	_ =	swait.ge [sflag:s3], $0x1000  }
0x9c: {  	[sflag:s3] =	ssyncset.done $0x0  }
0x9d: {  	[sflag:s3] =	ssyncadd.s32 $0xFFFFF000  }
0x9e: {  	[tilespmem:s6], [sflag:$0x1] =	stream.indirect.gather [hbm4b:s4+s5], $0x80, s2, s5, $0xb8;
	[tilespmem:$0x19000] =	vst v63  }
0x9f: {  	_ = 	snop  }
0xa0: {  	[tilespmem:s7], [sflag:$0x1] =	stream.indirect.gather [hbm4b:s4+s5], $0x80, s5, s5, $0xb8;
	[tilespmem:$0x19000] =	vst v63  }
0xa1: {  	_ = 	snop  }
0xa2: {  	[tilespmem:s9], [sflag:$0x1] =	stream.indirect.gather [hbm4b:s4+s5], $0x80, s8, s5, $0xb8;
	[tilespmem:$0x19000] =	vst v63  }
0xa3: {  	_ =	swait.ge [sflag:s10], $0x8000  }
0xa4: {  	[sflag:s10] =	ssyncset.done $0x0  }
0xa5: {  	s0 =	rddreg [dreg:$0x3];
	[sflag:s10] =	ssyncadd.s32 $0xFFFF8000  }
0xa6: {  	[hbm4b:s0+s2] =	stream.linear.scatter [tilespmem:s6], [sflag:$0x2], $0x8000, $0x38;
	[tilespmem:$0x19000] =	vst v63  }
0xa7: {  	_ =	swait.ge [sflag:s11], $0x8000  }
0xa8: {  	[sflag:s11] =	ssyncset.done $0x0  }
0xa9: {  	[sflag:s11] =	ssyncadd.s32 $0xFFFF8000  }
0xaa: {  	[tilespmem:s6], [sflag:$0x1] =	stream.indirect.gather [hbm4b:s4+s5], $0x80, s12, s5, $0xb8;
	[tilespmem:$0x19000] =	vst v63  }
0xab: {  	_ =	swait.ge [sflag:s10], $0x8000  }
0xac: {  	[sflag:s10] =	ssyncset.done $0x0  }
0xad: {  	s0 =	rddreg [dreg:$0x4];
	[sflag:s10] =	ssyncadd.s32 $0xFFFF8000  }
0xae: {  	[hbm4b:s0+s2] =	stream.linear.scatter [tilespmem:s7], [sflag:$0x2], $0x8000, $0x38;
	[tilespmem:$0x19000] =	vst v63  }
0xaf: {  	_ =	swait.ge [sflag:s11], $0x8000  }
0xb0: {  	[sflag:s11] =	ssyncset.done $0x0  }
0xb1: {  	[sflag:s11] =	ssyncadd.s32 $0xFFFF8000  }
0xb2: {  	[tilespmem:s7], [sflag:$0x1] =	stream.indirect.gather [hbm4b:s4+s5], $0x80, s13, s5, $0xb8;
	[tilespmem:$0x19000] =	vst v63  }
0xb3: {  	_ =	swait.ge [sflag:s10], $0x8000  }
0xb4: {  	[sflag:s10] =	ssyncset.done $0x0  }
0xb5: {  	s0 =	rddreg [dreg:$0x5];
	[sflag:s10] =	ssyncadd.s32 $0xFFFF8000  }
0xb6: {  	[hbm4b:s0+s2] =	stream.linear.scatter [tilespmem:s9], [sflag:$0x2], $0x8000, $0x38;
	[tilespmem:$0x19000] =	vst v63  }
0xb7: {  	_ =	swait.ge [sflag:s11], $0x8000  }
0xb8: {  	[sflag:s11] =	ssyncset.done $0x0  }
0xb9: {  	[sflag:s11] =	ssyncadd.s32 $0xFFFF8000  }
0xba: {  	[tilespmem:s9], [sflag:$0x1] =	stream.indirect.gather [hbm4b:s4+s5], $0x80, s14, s5, $0xb8;
	[tilespmem:$0x19000] =	vst v63  }
0xbb: {  	_ =	swait.ge [sflag:s10], $0x8000  }
0xbc: {  	[sflag:s10] =	ssyncset.done $0x0  }
0xbd: {  	s0 =	rddreg [dreg:$0x6];
	[sflag:s10] =	ssyncadd.s32 $0xFFFF8000  }
0xbe: {  	[hbm4b:s0+s2] =	stream.linear.scatter [tilespmem:s6], [sflag:$0x2], $0x8000, $0x38;
	[tilespmem:$0x19000] =	vst v63  }
0xbf: {  	_ =	swait.ge [sflag:s11], $0x8000  }
0xc0: {  	[sflag:s11] =	ssyncset.done $0x0  }
0xc1: {  	[sflag:s11] =	ssyncadd.s32 $0xFFFF8000  }
0xc2: {  	[tilespmem:s6], [sflag:$0x1] =	stream.indirect.gather [hbm4b:s4+s5], $0x80, s15, s5, $0xb8;
	[tilespmem:$0x19000] =	vst v63  }
0xc3: {  	_ =	swait.ge [sflag:s10], $0x8000  }
0xc4: {  	[sflag:s10] =	ssyncset.done $0x0  }
0xc5: {  	s0 =	rddreg [dreg:$0x7];
	[sflag:s10] =	ssyncadd.s32 $0xFFFF8000  }
0xc6: {  	[hbm4b:s0+s2] =	stream.linear.scatter [tilespmem:s7], [sflag:$0x2], $0x8000, $0x38;
	[tilespmem:$0x19000] =	vst v63  }
0xc7: {  	_ =	swait.ge [sflag:s11], $0x8000  }
0xc8: {  	[sflag:s11] =	ssyncset.done $0x0  }
0xc9: {  	[sflag:s11] =	ssyncadd.s32 $0xFFFF8000  }
0xca: {  	[tilespmem:s7], [sflag:$0x1] =	stream.indirect.gather [hbm4b:s4+s5], $0x80, s16, s5, $0xb8;
	[tilespmem:$0x19000] =	vst v63  }
0xcb: {  	_ =	swait.ge [sflag:s10], $0x8000  }
0xcc: {  	[sflag:s10] =	ssyncset.done $0x0  }
0xcd: {  	s0 =	rddreg [dreg:$0x8];
	[sflag:s10] =	ssyncadd.s32 $0xFFFF8000  }
0xce: {  	[hbm4b:s0+s2] =	stream.linear.scatter [tilespmem:s9], [sflag:$0x2], $0x8000, $0x38;
	[tilespmem:$0x19000] =	vst v63  }
0xcf: {  	_ =	swait.ge [sflag:s11], $0x8000  }
0xd0: {  	[sflag:s11] =	ssyncset.done $0x0  }
0xd1: {  	[sflag:s11] =	ssyncadd.s32 $0xFFFF8000  }
0xd2: {  	[tilespmem:s9], [sflag:$0x1] =	stream.indirect.gather [hbm4b:s4+s5], $0x80, s17, s5, $0xb8;
	[tilespmem:$0x19000] =	vst v63  }
0xd3: {  	_ =	swait.ge [sflag:s10], $0x8000  }
0xd4: {  	[sflag:s10] =	ssyncset.done $0x0  }
0xd5: {  	s0 =	rddreg [dreg:$0x9];
	[sflag:s10] =	ssyncadd.s32 $0xFFFF8000  }
0xd6: {  	[hbm4b:s0+s2] =	stream.linear.scatter [tilespmem:s6], [sflag:$0x2], $0x8000, $0x38;
	[tilespmem:$0x19000] =	vst v63  }
0xd7: {  	_ =	swait.ge [sflag:s11], $0x8000  }
0xd8: {  	[sflag:s11] =	ssyncset.done $0x0  }
0xd9: {  	[sflag:s11] =	ssyncadd.s32 $0xFFFF8000  }
0xda: {  	[tilespmem:s6], [sflag:$0x1] =	stream.indirect.gather [hbm4b:s4+s5], $0x80, s18, s5, $0xb8;
	[tilespmem:$0x19000] =	vst v63  }
0xdb: {  	_ =	swait.ge [sflag:s10], $0x8000  }
0xdc: {  	[sflag:s10] =	ssyncset.done $0x0  }
0xdd: {  	s0 =	rddreg [dreg:$0xa];
	[sflag:s10] =	ssyncadd.s32 $0xFFFF8000  }
0xde: {  	[hbm4b:s0+s2] =	stream.linear.scatter [tilespmem:s7], [sflag:$0x2], $0x8000, $0x38;
	[tilespmem:$0x19000] =	vst v63  }
0xdf: {  	_ =	swait.ge [sflag:s11], $0x8000  }
0xe0: {  	[sflag:s11] =	ssyncset.done $0x0  }
0xe1: {  	[sflag:s11] =	ssyncadd.s32 $0xFFFF8000  }
0xe2: {  	[tilespmem:s7], [sflag:$0x1] =	stream.indirect.gather [hbm4b:s4+s5], $0x80, s19, s5, $0xb8;
	[tilespmem:$0x19000] =	vst v63  }
0xe3: {  	_ =	swait.ge [sflag:s10], $0x8000  }
0xe4: {  	[sflag:s10] =	ssyncset.done $0x0  }
0xe5: {  	s0 =	rddreg [dreg:$0xb];
	[sflag:s10] =	ssyncadd.s32 $0xFFFF8000  }
0xe6: {  	[hbm4b:s0+s2] =	stream.linear.scatter [tilespmem:s9], [sflag:$0x2], $0x8000, $0x38;
	[tilespmem:$0x19000] =	vst v63  }
0xe7: {  	_ =	swait.ge [sflag:s11], $0x8000  }
0xe8: {  	[sflag:s11] =	ssyncset.done $0x0  }
0xe9: {  	[sflag:s11] =	ssyncadd.s32 $0xFFFF8000  }
0xea: {  	[tilespmem:s9], [sflag:$0x1] =	stream.indirect.gather [hbm4b:s4+s5], $0x80, s20, s5, $0xb8;
	[tilespmem:$0x19000] =	vst v63  }
0xeb: {  	_ =	swait.ge [sflag:s10], $0x8000  }
0xec: {  	[sflag:s10] =	ssyncset.done $0x0  }
0xed: {  	s0 =	rddreg [dreg:$0xc];
	[sflag:s10] =	ssyncadd.s32 $0xFFFF8000  }
0xee: {  	[hbm4b:s0+s2] =	stream.linear.scatter [tilespmem:s6], [sflag:$0x2], $0x8000, $0x38;
	[tilespmem:$0x19000] =	vst v63  }
0xef: {  	_ =	swait.ge [sflag:s11], $0x8000  }
0xf0: {  	[sflag:s11] =	ssyncset.done $0x0  }
0xf1: {  	[sflag:s11] =	ssyncadd.s32 $0xFFFF8000  }
0xf2: {  	[tilespmem:s6], [sflag:$0x1] =	stream.indirect.gather [hbm4b:s4+s5], $0x80, s21, s5, $0xb8;
	[tilespmem:$0x19000] =	vst v63  }
0xf3: {  	_ =	swait.ge [sflag:s10], $0x8000  }
0xf4: {  	[sflag:s10] =	ssyncset.done $0x0  }
0xf5: {  	[sflag:s10] =	ssyncadd.s32 $0xFFFF8000  }
0xf6: {  	[hbm4b:s22+s2] =	stream.linear.scatter [tilespmem:s7], [sflag:$0x2], $0x8000, $0x38;
	[tilespmem:$0x19000] =	vst v63  }
0xf7: {  	_ =	swait.ge [sflag:s11], $0x8000  }
0xf8: {  	[sflag:s11] =	ssyncset.done $0x0  }
0xf9: {  	[sflag:s11] =	ssyncadd.s32 $0xFFFF8000  }
0xfa: {  	[tilespmem:s7], [sflag:$0x1] =	stream.indirect.gather [hbm4b:s4+s5], $0x80, s23, s5, $0xb8;
	[tilespmem:$0x19000] =	vst v63  }
0xfb: {  	_ =	swait.ge [sflag:s10], $0x8000  }
0xfc: {  	[sflag:s10] =	ssyncset.done $0x0  }
0xfd: {  	[sflag:s10] =	ssyncadd.s32 $0xFFFF8000  }
0xfe: {  	[hbm4b:s24+s2] =	stream.linear.scatter [tilespmem:s9], [sflag:$0x2], $0x8000, $0x38;
	[tilespmem:$0x19000] =	vst v63  }
0xff: {  	_ =	swait.ge [sflag:s11], $0x8000  }
0x100: {  	[sflag:s11] =	ssyncset.done $0x0  }
0x101: {  	[sflag:s11] =	ssyncadd.s32 $0xFFFF8000  }
0x102: {  	[tilespmem:s9], [sflag:$0x1] =	stream.indirect.gather [hbm4b:s4+s5], $0x80, s25, s5, $0xb8;
	[tilespmem:$0x19000] =	vst v63  }
0x103: {  	_ =	swait.ge [sflag:s10], $0x8000  }
0x104: {  	[sflag:s10] =	ssyncset.done $0x0  }
0x105: {  	[sflag:s10] =	ssyncadd.s32 $0xFFFF8000  }
0x106: {  	[hbm4b:s26+s2] =	stream.linear.scatter [tilespmem:s6], [sflag:$0x2], $0x8000, $0x38;
	[tilespmem:$0x19000] =	vst v63  }
0x107: {  	_ =	swait.ge [sflag:s11], $0x8000  }
0x108: {  	[sflag:s11] =	ssyncset.done $0x0  }
0x109: {  	[sflag:s11] =	ssyncadd.s32 $0xFFFF8000  }
0x10a: {  	[tilespmem:s6], [sflag:$0x1] =	stream.indirect.gather [hbm4b:s4+s5], $0x80, s28, s5, $0xb8;
	[tilespmem:$0x19000] =	vst v63  }
0x10b: {  	_ =	swait.ge [sflag:s10], $0x8000  }
0x10c: {  	[sflag:s10] =	ssyncset.done $0x0  }
0x10d: {  	[sflag:s10] =	ssyncadd.s32 $0xFFFF8000  }
0x10e: {  	[hbm4b:s29+s2] =	stream.linear.scatter [tilespmem:s7], [sflag:$0x2], $0x8000, $0x38;
	[tilespmem:$0x19000] =	vst v63  }
0x10f: {  	_ =	swait.ge [sflag:s10], $0x8000  }
0x110: {  	[sflag:s10] =	ssyncset.done $0x0  }
0x111: {  	[sflag:s10] =	ssyncadd.s32 $0xFFFF8000  }
0x112: {  	[hbm4b:s30+s2] =	stream.linear.scatter [tilespmem:s9], [sflag:$0x2], $0x8000, $0x38;
	[tilespmem:$0x19000] =	vst v63  }
0x113: {  	_ =	swait.ge [sflag:s10], $0x8000  }
0x114: {  	[sflag:s10] =	ssyncset.done $0x0  }
0x115: {  	[sflag:s10] =	ssyncadd.s32 $0xFFFF8000  }
0x116: {  	[hbm4b:s31+s2] =	stream.linear.scatter [tilespmem:s6], [sflag:$0x2], $0x8000, $0x38;
	[tilespmem:$0x19000] =	vst v63  }
0x117: {  	_ =	swait.ge [sflag:s11], $0x8000  }
0x118: {  	p0 =	sne.s32 s1, $0x1;
	[sflag:s11] =	ssyncset.done $0x0  }
.Ltmp1:
0x119: {  	[sflag:s11] =	ssyncadd.s32 $0xFFFF8000;
	(pc) =	sbr.rel @p0 .LBB2_1-.Ltmp1, $4  }
0x11a: {  	_ =	swait.ge [sflag:s11], $0x8000  }
0x11b: {  	[sflag:s11] =	ssyncset.done $0x0  }
0x11c: {  	[sflag:s11] =	ssyncadd.s32 $0xFFFF8000  }
0x11d: {  	s1 =	sadd.s32 $0xFFFFFFFF, s1;
	_ =	swait.ge [sflag:s11], $0x8000  }
.LBB2_2:
0x11e: {  	[sflag:s11] =	ssyncset.done $0x0  }
0x11f: {  	[sflag:s11] =	ssyncadd.s32 $0xFFFF8000  }
0x120: {  	_ =	sfence.sel $0x180000  }
0x121: {  	[bflag:$0x0] =	sbarrier.arrive $0xFFFF  }
0x122: {  	_ =	strace $0x90000047  }
0x123: {  	s0 =	stileid.u32;
	[bflag:$0x2] =	sbarrier.arrive $0xFFFF  }
0x124: {  	p0 =	sne.s32 s0, $0x0;
	s0 =	rddreg [dreg:$0x1]  }
0x125: {  	s0 =	sadd.s32 @!p0 $0x100000, s0  }
0x126: {  	[sflag:s0] =	ssyncadd.tile.s32 @!p0 $0x1;
	_ =	shalt  }
.Lfunc_end2:
_tile_overlayer_lowered:
.L_overlay_start_2:
0x127: {  	(tag) =	ssettag $0x2  }
0x128: {  	s0 =	rddreg [dreg:$0x0];
	s2 =	stileid.u32  }
0x129: {  	s1 =	rddreg [dreg:$0x1];
	p0 =	sne.s32 s2, $0x0  }
0x12a: {  	s3 =	rddreg [dreg:$0x2];
	[bflag:$0x3] =	sbarrier.arrive $0xFFFF;
	s2 =	simm.s32 @!p0 $0x1C03  }
0x12b: {  	[timem:s3], [sflag:s2] =	dma.local @!p0 [hbm:s0], s1  }
0x12c: {  	s0 =	simm.s32 @!p0 $0x3  }
0x12d: {  	_ =	swait.ge @!p0 [sflag:s0], s1  }
0x12e: {  	s1 =	ssub.s32 @!p0 $0x0, s1;
	[sflag:s0] =	ssyncset.done @!p0 $0x0  }
0x12f: {  	[sflag:s0] =	ssyncadd.s32 @!p0 s1  }
0x130: {  	[bflag:$0x3] =	sbarrier.arrive $0xFFFF  }
0x131: {  	_ =	shalt  }

</sc_bundles>
